<compile_context>
chip_gen: v7x
topology: tpu7x:2x2x1
jax: 0.10.2.dev20260603
libtpu: 0.0.44.dev20260713+nightly
codegen_flags: <defaults>
</compile_context>

<pallas_src>
import functools

import jax
import jax.numpy as jnp
from jax import lax
from jax.experimental import pallas as pl
from jax.experimental.pallas import tpu as pltpu
from jax.experimental.pallas import tpu_sc as plsc

N = 10000
E = 160000
D_IN, D1, D2 = 128, 64, 32

NC, NS = 2, 16
NW = NC * NS
CHUNK = 128
EPT = 5120
E_PAD = NW * EPT
NCH = EPT // CHUNK
NPAD = 10240
RPT = NPAD // NS

_mesh = plsc.VectorSubcoreMesh(core_axis_name="c", subcore_axis_name="s")


def _wid(c, s):
    return s * NC + c


@functools.partial(
    pl.kernel,
    mesh=_mesh,
    out_type=jax.ShapeDtypeStruct((NC, NPAD), jnp.float32),
    compiler_params=pltpu.CompilerParams(use_tc_tiling_on_sc=False),
    scratch_types=[
        pltpu.VMEM((NCH, CHUNK), jnp.int32),
        pltpu.VMEM((CHUNK,), jnp.float32),
        pltpu.VMEM_SHARED((NPAD,), jnp.float32),
        pltpu.SemaphoreType.DMA,
    ],
)
def _deg_kernel(dst_hbm, zvec_hbm, out_hbm, dst_v, ones_v, acc, sem):
    c = lax.axis_index("c")
    s = lax.axis_index("s")
    w = _wid(c, s)
    rbase = s * RPT
    for i in range(CHUNK // 16):
        ones_v[pl.ds(i * 16, 16)] = jnp.ones((16,), jnp.float32)
    pltpu.sync_copy(dst_hbm.at[w], dst_v)
    pltpu.sync_copy(zvec_hbm.at[pl.ds(rbase, RPT)], acc.at[pl.ds(rbase, RPT)])
    plsc.subcore_barrier()

    def fire(j, carry):
        pltpu.async_copy(ones_v, acc.at[dst_v.at[j]], sem, add=True)
        return carry

    lax.fori_loop(0, NCH, fire, 0)

    def drain(j, carry):
        pltpu.make_async_copy(ones_v, acc.at[dst_v.at[0]], sem).wait()
        return carry

    lax.fori_loop(0, NCH, drain, 0)
    plsc.subcore_barrier()
    pltpu.sync_copy(acc.at[pl.ds(rbase, RPT)], out_hbm.at[c, pl.ds(rbase, RPT)])


def _make_agg(D):
    NBUF = 4

    @functools.partial(
        pl.kernel,
        mesh=_mesh,
        out_type=jax.ShapeDtypeStruct((NC, NPAD, D), jnp.float32),
        compiler_params=pltpu.CompilerParams(use_tc_tiling_on_sc=False),
        scratch_types=(
            [pltpu.VMEM((NCH, CHUNK), jnp.int32),
             pltpu.VMEM((NCH, CHUNK), jnp.int32)]
            + [pltpu.VMEM((CHUNK, D), jnp.float32)] * NBUF
            + [pltpu.VMEM_SHARED((NPAD, D), jnp.float32)]
            + [pltpu.SemaphoreType.DMA] * (2 * NBUF)
        ),
    )
    def _agg(g_hbm, src_hbm, dst_hbm, zmat_hbm, out_hbm, src_v, dst_v,
             *rest):
        rows = rest[:NBUF]
        acc = rest[NBUF]
        sem_g = rest[NBUF + 1:NBUF + 1 + NBUF]
        sem_s = rest[NBUF + 1 + NBUF:]
        c = lax.axis_index("c")
        s = lax.axis_index("s")
        w = _wid(c, s)
        rbase = s * RPT
        pltpu.sync_copy(src_hbm.at[w], src_v)
        pltpu.sync_copy(dst_hbm.at[w], dst_v)
        pltpu.sync_copy(zmat_hbm.at[pl.ds(rbase, RPT)], acc.at[pl.ds(rbase, RPT)])
        plsc.subcore_barrier()

        for b in range(NBUF):
            pltpu.async_copy(g_hbm.at[src_v.at[b]], rows[b], sem_g[b])

        def group(gi, carry):
            for b in range(NBUF):
                j = gi * NBUF + b
                pltpu.make_async_copy(g_hbm.at[pl.ds(0, CHUNK)], rows[b],
                                      sem_g[b]).wait()
                pltpu.async_copy(rows[b], acc.at[dst_v.at[j]], sem_s[b],
                                 add=True)
            for b in range(NBUF):
                j = gi * NBUF + b
                pltpu.make_async_copy(g_hbm.at[pl.ds(0, CHUNK)], rows[b],
                                      sem_s[b]).wait()
                nj = j + NBUF

                @pl.when(nj < NCH)
                def _():
                    pltpu.async_copy(g_hbm.at[src_v.at[nj]], rows[b],
                                     sem_g[b])
            return carry

        lax.fori_loop(0, NCH // NBUF, group, 0)
        plsc.subcore_barrier()
        pltpu.sync_copy(acc.at[pl.ds(rbase, RPT)],
                        out_hbm.at[c, pl.ds(rbase, RPT)])

    return _agg


_agg64 = _make_agg(D1)
_agg32 = _make_agg(D2)


def _mm1_body(x_ref, w_ref, o_ref):
    o_ref[...] = jnp.dot(x_ref[...], w_ref[...],
                         preferred_element_type=jnp.float32)


def _mm1(x, W1):
    return pl.pallas_call(
        _mm1_body,
        out_shape=jax.ShapeDtypeStruct((N, D1), jnp.float32),
    )(x, W1)


def _scale_body(h_ref, d0_ref, d1_ref, o_ref):
    dinv = lax.rsqrt(d0_ref[...] + d1_ref[...] + 1.0)
    o_ref[...] = h_ref[...] * dinv


def _scale(h, d0, d1):
    return pl.pallas_call(
        _scale_body,
        out_shape=jax.ShapeDtypeStruct(h.shape, jnp.float32),
    )(h, d0, d1)


def _l1l2_body(a0_ref, a1_ref, g1_ref, d0_ref, d1_ref, b1_ref, w2_ref, o_ref):
    dinv = lax.rsqrt(d0_ref[...] + d1_ref[...] + 1.0)
    pre = dinv * (a0_ref[...] + a1_ref[...] + g1_ref[...]) + b1_ref[...]
    o1 = jnp.where(pre >= 0, pre, 0.01 * pre)
    o_ref[...] = jnp.dot(o1, w2_ref[...],
                         preferred_element_type=jnp.float32) * dinv


def _l1l2(a0, a1, g1, d0, d1, b1, W2):
    return pl.pallas_call(
        _l1l2_body,
        out_shape=jax.ShapeDtypeStruct((N, D2), jnp.float32),
    )(a0, a1, g1, d0, d1, b1, W2)


def _fin_body(a0_ref, a1_ref, g2_ref, d0_ref, d1_ref, b2_ref, o_ref):
    dinv = lax.rsqrt(d0_ref[...] + d1_ref[...] + 1.0)
    pre = dinv * (a0_ref[...] + a1_ref[...] + g2_ref[...]) + b2_ref[...]
    o_ref[...] = jnp.where(pre >= 0, pre, 0.01 * pre)


def _fin(a0, a1, g2, d0, d1, b2):
    return pl.pallas_call(
        _fin_body,
        out_shape=jax.ShapeDtypeStruct((N, D2), jnp.float32),
    )(a0, a1, g2, d0, d1, b2)


_BM, _BN = 512, 2048


def _dec_body(hl_ref, hr_ref, o_ref):
    z = lax.dot_general(hl_ref[...], hr_ref[...],
                        (((1,), (1,)), ((), ())),
                        preferred_element_type=jnp.float32)
    o_ref[...] = 0.5 + 0.5 * jnp.tanh(0.5 * z)


def _decoder(h):
    gm = (N + _BM - 1) // _BM
    gn = (N + _BN - 1) // _BN
    return pl.pallas_call(
        _dec_body,
        grid=(gm, gn),
        in_specs=[
            pl.BlockSpec((_BM, D2), lambda i, j: (i, 0)),
            pl.BlockSpec((_BN, D2), lambda i, j: (j, 0)),
        ],
        out_specs=pl.BlockSpec((_BM, _BN), lambda i, j: (i, j)),
        out_shape=jax.ShapeDtypeStruct((N, N), jnp.float32),
    )(h, h)


def kernel(x, edge_index, batch, W1, b1, W2, b2):
    del batch
    src = edge_index[0].astype(jnp.int32)
    dst = edge_index[1].astype(jnp.int32)
    pad = E_PAD - E
    src_p = jnp.concatenate([src, jnp.zeros((pad,), jnp.int32)])
    dst_p = jnp.concatenate([dst, jnp.full((pad,), N, jnp.int32)])
    src_p = src_p.reshape(NW, NCH, CHUNK)
    dst_p = dst_p.reshape(NW, NCH, CHUNK)

    zvec = jnp.zeros((NPAD,), jnp.float32)
    zmat1 = jnp.zeros((NPAD, D1), jnp.float32)
    zmat2 = jnp.zeros((NPAD, D2), jnp.float32)

    degp = _deg_kernel(dst_p, zvec)
    d0 = degp[0, :N].reshape(N, 1)
    d1 = degp[1, :N].reshape(N, 1)

    h1 = _mm1(x, W1)
    g1 = _scale(h1, d0, d1)

    aggp1 = _agg64(g1, src_p, dst_p, zmat1)
    g2 = _l1l2(aggp1[0, :N], aggp1[1, :N], g1, d0, d1,
               b1.reshape(1, D1), W2)

    aggp2 = _agg32(g2, src_p, dst_p, zmat2)
    h = _fin(aggp2[0, :N], aggp2[1, :N], g2, d0, d1, b2.reshape(1, D2))

    x1 = _decoder(h)
    return (x1, h)

# --- scband reference (transcript-rebuilt; emitter-appended) ---
"""Pipeline reference for scband-gae-29351806501366 (READ-ONLY COPY).

The authoritative reference and input builder live on the scoring server;
editing this copy changes nothing except your own understanding.
"""

import jax, jax.numpy as jnp
import numpy as np

N = 10000
E = 160000
D_IN, D1, D2 = 128, 64, 32


def leaky_relu(x, slope=0.01):
    return jnp.where(x >= 0, x, slope * x)


def gcn_conv(x, src, dst, W, b, n):
    # PyG-style GCNConv: add self-loops, symmetric normalization, aggregate at dst
    h = x @ W
    loop = jnp.arange(n, dtype=src.dtype)
    s = jnp.concatenate([src, loop])
    d = jnp.concatenate([dst, loop])
    deg = jnp.zeros((n,), x.dtype).at[d].add(1.0)
    dinv = jnp.where(deg > 0, 1.0 / jnp.sqrt(deg), 0.0)
    norm = dinv[s] * dinv[d]
    msg = h[s] * norm[:, None]
    out = jnp.zeros((n, W.shape[1]), x.dtype).at[d].add(msg)
    return out + b


def setup_inputs(seed: int = 0) -> dict:
    key = jax.random.key(seed)
    k = jax.random.split(key, 8)
    x = jax.random.normal(k[0], (N, D_IN), dtype=jnp.float32)
    edge_index = jax.random.randint(k[1], (2, E), 0, N, dtype=jnp.int64)
    batch = jnp.sort(jax.random.randint(k[2], (N,), 0, 16, dtype=jnp.int64))
    W1 = jax.random.normal(k[3], (D_IN, D1), dtype=jnp.float32) * (1.0 / np.sqrt(D_IN))
    b1 = jnp.zeros((D1,), dtype=jnp.float32)
    W2 = jax.random.normal(k[4], (D1, D2), dtype=jnp.float32) * (1.0 / np.sqrt(D1))
    b2 = jnp.zeros((D2,), dtype=jnp.float32)
    return {"x": x, "edge_index": edge_index, "batch": batch,
            "W1": W1, "b1": b1, "W2": W2, "b2": b2}


def reference(x, edge_index, batch, W1, b1, W2, b2):
    # GAE.forward (eval mode: dropout = identity). GCN3 is defined in __init__
    # but unused in forward, so it is omitted here.
    src, dst = edge_index[0], edge_index[1]
    h = leaky_relu(gcn_conv(x, src, dst, W1, b1, N))
    h = leaky_relu(gcn_conv(h, src, dst, W2, b2, N))
    x1 = jax.nn.sigmoid(h @ h.T)
    return (x1, h)

if __name__ == "__main__":
    import jax
    _d = setup_inputs()
    print(jax.jit(kernel)(*tuple(_d.values())))

</pallas_src>

<mosaic_0001>
#map = affine_map<(d0, d1) -> (0, 0, 0)>
#map1 = affine_map<(d0, d1) -> (0)>
#map2 = affine_map<(d0, d1) -> (0, 0)>
module attributes {stable_mosaic.version = 14 : i64} {
  func.func @_deg_kernel(%arg0: i32, %arg1: i32, %arg2: memref<32x40x128xi32, #tpu.memory_space<hbm>>, %arg3: memref<10240xf32, #tpu.memory_space<hbm>>, %arg4: memref<2x10240xf32, #tpu.memory_space<hbm>>, %arg5: memref<40x128xi32, #tpu.memory_space<vmem>>, %arg6: memref<128xf32, #tpu.memory_space<vmem>>, %arg7: memref<10240xf32, #tpu.memory_space<vmem_shared>>, %arg8: memref<!tpu.dma_semaphore, #tpu.memory_space<semaphore_mem>>) attributes {dimension_semantics = [#tpu.dimension_semantics<core_parallel>, #tpu.dimension_semantics<subcore_parallel>], iteration_bounds = array<i64: 2, 16>, scalar_prefetch = 0 : i64, scratch_operands = 4 : i64, tpu.core_type = #tpu.core_type<sc_vector_subcore>, window_params = [{transform_indices = #map}, {transform_indices = #map1}, {transform_indices = #map2}]} {
    %mul3A = arith.constant 2 : i32
    %mul3A_0 = arith.muli %arg1, %mul3A : i32
    %add3A = arith.addi %mul3A_0, %arg0 : i32
    %mul3A_1 = arith.constant 640 : i32
    %mul3A_2 = arith.muli %arg1, %mul3A_1 : i32
    %broadcast_in_dim3A = arith.constant 1.000000e+00 : f32
    %broadcast_in_dim3A_3 = vector.broadcast %broadcast_in_dim3A : f32 to vector<16xf32>
    %swap3A = arith.constant 0 : index
    %swap3A_4 = tpu.vector_load %arg6[%swap3A] {strides = array<i32>} : memref<128xf32, #tpu.memory_space<vmem>>, vector<16xf32>,
    %swap3A_5 = vector.shape_cast %swap3A_4 : vector<16xf32> to vector<16xf32>
    %swap3A_6 = vector.shape_cast %broadcast_in_dim3A_3 : vector<16xf32> to vector<16xf32>
    tpu.vector_store %arg6[%swap3A], %swap3A_6 {strides = array<i32>} : memref<128xf32, #tpu.memory_space<vmem>>, vector<16xf32>,
    %broadcast_in_dim3A_7 = arith.constant 1.000000e+00 : f32
    %broadcast_in_dim3A_8 = vector.broadcast %broadcast_in_dim3A_7 : f32 to vector<16xf32>
    %swap3A_9 = arith.constant 16 : index
    %swap3A_10 = tpu.vector_load %arg6[%swap3A_9] {strides = array<i32>} : memref<128xf32, #tpu.memory_space<vmem>>, vector<16xf32>,
    %swap3A_11 = vector.shape_cast %swap3A_10 : vector<16xf32> to vector<16xf32>
    %swap3A_12 = vector.shape_cast %broadcast_in_dim3A_8 : vector<16xf32> to vector<16xf32>
    tpu.vector_store %arg6[%swap3A_9], %swap3A_12 {strides = array<i32>} : memref<128xf32, #tpu.memory_space<vmem>>, vector<16xf32>,
    %broadcast_in_dim3A_13 = arith.constant 1.000000e+00 : f32
    %broadcast_in_dim3A_14 = vector.broadcast %broadcast_in_dim3A_13 : f32 to vector<16xf32>
    %swap3A_15 = arith.constant 32 : index
    %swap3A_16 = tpu.vector_load %arg6[%swap3A_15] {strides = array<i32>} : memref<128xf32, #tpu.memory_space<vmem>>, vector<16xf32>,
    %swap3A_17 = vector.shape_cast %swap3A_16 : vector<16xf32> to vector<16xf32>
    %swap3A_18 = vector.shape_cast %broadcast_in_dim3A_14 : vector<16xf32> to vector<16xf32>
    tpu.vector_store %arg6[%swap3A_15], %swap3A_18 {strides = array<i32>} : memref<128xf32, #tpu.memory_space<vmem>>, vector<16xf32>,
    %broadcast_in_dim3A_19 = arith.constant 1.000000e+00 : f32
    %broadcast_in_dim3A_20 = vector.broadcast %broadcast_in_dim3A_19 : f32 to vector<16xf32>
    %swap3A_21 = arith.constant 48 : index
    %swap3A_22 = tpu.vector_load %arg6[%swap3A_21] {strides = array<i32>} : memref<128xf32, #tpu.memory_space<vmem>>, vector<16xf32>,
    %swap3A_23 = vector.shape_cast %swap3A_22 : vector<16xf32> to vector<16xf32>
    %swap3A_24 = vector.shape_cast %broadcast_in_dim3A_20 : vector<16xf32> to vector<16xf32>
    tpu.vector_store %arg6[%swap3A_21], %swap3A_24 {strides = array<i32>} : memref<128xf32, #tpu.memory_space<vmem>>, vector<16xf32>,
    %broadcast_in_dim3A_25 = arith.constant 1.000000e+00 : f32
    %broadcast_in_dim3A_26 = vector.broadcast %broadcast_in_dim3A_25 : f32 to vector<16xf32>
    %swap3A_27 = arith.constant 64 : index
    %swap3A_28 = tpu.vector_load %arg6[%swap3A_27] {strides = array<i32>} : memref<128xf32, #tpu.memory_space<vmem>>, vector<16xf32>,
    %swap3A_29 = vector.shape_cast %swap3A_28 : vector<16xf32> to vector<16xf32>
    %swap3A_30 = vector.shape_cast %broadcast_in_dim3A_26 : vector<16xf32> to vector<16xf32>
    tpu.vector_store %arg6[%swap3A_27], %swap3A_30 {strides = array<i32>} : memref<128xf32, #tpu.memory_space<vmem>>, vector<16xf32>,
    %broadcast_in_dim3A_31 = arith.constant 1.000000e+00 : f32
    %broadcast_in_dim3A_32 = vector.broadcast %broadcast_in_dim3A_31 : f32 to vector<16xf32>
    %swap3A_33 = arith.constant 80 : index
    %swap3A_34 = tpu.vector_load %arg6[%swap3A_33] {strides = array<i32>} : memref<128xf32, #tpu.memory_space<vmem>>, vector<16xf32>,
    %swap3A_35 = vector.shape_cast %swap3A_34 : vector<16xf32> to vector<16xf32>
    %swap3A_36 = vector.shape_cast %broadcast_in_dim3A_32 : vector<16xf32> to vector<16xf32>
    tpu.vector_store %arg6[%swap3A_33], %swap3A_36 {strides = array<i32>} : memref<128xf32, #tpu.memory_space<vmem>>, vector<16xf32>,
    %broadcast_in_dim3A_37 = arith.constant 1.000000e+00 : f32
    %broadcast_in_dim3A_38 = vector.broadcast %broadcast_in_dim3A_37 : f32 to vector<16xf32>
    %swap3A_39 = arith.constant 96 : index
    %swap3A_40 = tpu.vector_load %arg6[%swap3A_39] {strides = array<i32>} : memref<128xf32, #tpu.memory_space<vmem>>, vector<16xf32>,
    %swap3A_41 = vector.shape_cast %swap3A_40 : vector<16xf32> to vector<16xf32>
    %swap3A_42 = vector.shape_cast %broadcast_in_dim3A_38 : vector<16xf32> to vector<16xf32>
    tpu.vector_store %arg6[%swap3A_39], %swap3A_42 {strides = array<i32>} : memref<128xf32, #tpu.memory_space<vmem>>, vector<16xf32>,
    %broadcast_in_dim3A_43 = arith.constant 1.000000e+00 : f32
    %broadcast_in_dim3A_44 = vector.broadcast %broadcast_in_dim3A_43 : f32 to vector<16xf32>
    %swap3A_45 = arith.constant 112 : index
    %swap3A_46 = tpu.vector_load %arg6[%swap3A_45] {strides = array<i32>} : memref<128xf32, #tpu.memory_space<vmem>>, vector<16xf32>,
    %swap3A_47 = vector.shape_cast %swap3A_46 : vector<16xf32> to vector<16xf32>
    %swap3A_48 = vector.shape_cast %broadcast_in_dim3A_44 : vector<16xf32> to vector<16xf32>
    tpu.vector_store %arg6[%swap3A_45], %swap3A_48 {strides = array<i32>} : memref<128xf32, #tpu.memory_space<vmem>>, vector<16xf32>,
    "tpu.region"() ({
      %run_scoped3A = tpu.sem_alloc : memref<!tpu.dma_semaphore, #tpu.memory_space<semaphore_mem>>
      %dma_start3A = arith.constant 0 : i32
      %dma_start3A_61 = arith.constant 0 : i32
      %dma_start3A_62 = tpu.memref_slice %arg2[%add3A, %dma_start3A, %dma_start3A_61] : memref<32x40x128xi32, #tpu.memory_space<hbm>> -> memref<1x40x128xi32, #tpu.memory_space<hbm>>
      %dma_start3A_63 = tpu.memref_squeeze %dma_start3A_62 : memref<1x40x128xi32, #tpu.memory_space<hbm>> -> memref<40x128xi32, #tpu.memory_space<hbm>>
      %dma_start3A_64 = arith.constant 0 : i32
      %dma_start3A_65 = arith.constant 0 : i32
      %dma_start3A_66 = tpu.memref_slice %arg2[%add3A, %dma_start3A_64, %dma_start3A_65] : memref<32x40x128xi32, #tpu.memory_space<hbm>> -> memref<1x40x128xi32, #tpu.memory_space<hbm>>
      %dma_start3A_67 = tpu.memref_squeeze %dma_start3A_66 : memref<1x40x128xi32, #tpu.memory_space<hbm>> -> memref<40x128xi32, #tpu.memory_space<hbm>>
      tpu.enqueue_dma source(%dma_start3A_67 : memref<40x128xi32, #tpu.memory_space<hbm>>) target(%arg5 : memref<40x128xi32, #tpu.memory_space<vmem>>) target_semaphore(%run_scoped3A : memref<!tpu.dma_semaphore, #tpu.memory_space<semaphore_mem>>)
      %dma_wait3A = arith.constant 0 : i32
      %dma_wait3A_68 = arith.constant 0 : i32
      %dma_wait3A_69 = tpu.memref_slice %arg2[%add3A, %dma_wait3A, %dma_wait3A_68] : memref<32x40x128xi32, #tpu.memory_space<hbm>> -> memref<1x40x128xi32, #tpu.memory_space<hbm>>
      %dma_wait3A_70 = tpu.memref_squeeze %dma_wait3A_69 : memref<1x40x128xi32, #tpu.memory_space<hbm>> -> memref<40x128xi32, #tpu.memory_space<hbm>>
      %dma_wait3A_71 = arith.constant 0 : i32
      %dma_wait3A_72 = arith.constant 0 : i32
      %dma_wait3A_73 = tpu.memref_slice %arg2[%add3A, %dma_wait3A_71, %dma_wait3A_72] : memref<32x40x128xi32, #tpu.memory_space<hbm>> -> memref<1x40x128xi32, #tpu.memory_space<hbm>>
      %dma_wait3A_74 = tpu.memref_squeeze %dma_wait3A_73 : memref<1x40x128xi32, #tpu.memory_space<hbm>> -> memref<40x128xi32, #tpu.memory_space<hbm>>
      tpu.wait_dma2 semaphore(%run_scoped3A : memref<!tpu.dma_semaphore, #tpu.memory_space<semaphore_mem>>) src(%dma_wait3A_74 : memref<40x128xi32, #tpu.memory_space<hbm>>) dst(%arg5 : memref<40x128xi32, #tpu.memory_space<vmem>>)
      tpu.yield
    }) : () -> ()
    "tpu.region"() ({
      %run_scoped3A = tpu.sem_alloc : memref<!tpu.dma_semaphore, #tpu.memory_space<semaphore_mem>>
      %dma_start3A = tpu.memref_slice %arg7[%mul3A_2] : memref<10240xf32, #tpu.memory_space<vmem_shared>> -> memref<640xf32, #tpu.memory_space<vmem_shared>>
      %dma_start3A_61 = tpu.memref_slice %arg3[%mul3A_2] : memref<10240xf32, #tpu.memory_space<hbm>> -> memref<640xf32, #tpu.memory_space<hbm>>
      tpu.enqueue_dma source(%dma_start3A_61 : memref<640xf32, #tpu.memory_space<hbm>>) target(%dma_start3A : memref<640xf32, #tpu.memory_space<vmem_shared>>) target_semaphore(%run_scoped3A : memref<!tpu.dma_semaphore, #tpu.memory_space<semaphore_mem>>)
      %dma_wait3A = tpu.memref_slice %arg7[%mul3A_2] : memref<10240xf32, #tpu.memory_space<vmem_shared>> -> memref<640xf32, #tpu.memory_space<vmem_shared>>
      %dma_wait3A_62 = tpu.memref_slice %arg3[%mul3A_2] : memref<10240xf32, #tpu.memory_space<hbm>> -> memref<640xf32, #tpu.memory_space<hbm>>
      tpu.wait_dma2 semaphore(%run_scoped3A : memref<!tpu.dma_semaphore, #tpu.memory_space<semaphore_mem>>) src(%dma_wait3A_62 : memref<640xf32, #tpu.memory_space<hbm>>) dst(%dma_wait3A : memref<640xf32, #tpu.memory_space<vmem_shared>>)
      tpu.yield
    }) : () -> ()
    %barrier3A = arith.constant 0 : index
    tpu.barrier barrier_id(%barrier3A)
    %scan3A = arith.constant 0 : i32
    %scan3A_49 = arith.constant 0 : i32
    %scan3A_50 = arith.constant 40 : i32
    %scan3A_51 = arith.addi %scan3A_49, %scan3A_50 : i32
    %scan3A_52 = arith.constant 1 : i32
    scf.for %scan3A_61 = %scan3A_49 to %scan3A_51 step %scan3A_52  : i32 {
      %dma_start3A = arith.constant 0 : i32
      %dma_start3A_62 = tpu.memref_slice %arg5[%scan3A_61, %dma_start3A] : memref<40x128xi32, #tpu.memory_space<vmem>> -> memref<1x128xi32, #tpu.memory_space<vmem>>
      %dma_start3A_63 = tpu.memref_squeeze %dma_start3A_62 : memref<1x128xi32, #tpu.memory_space<vmem>> -> memref<128xi32, #tpu.memory_space<vmem>>
      %dma_start3A_64 = arith.constant 0 : i32
      %dma_start3A_65 = tpu.memref_slice %arg7[%dma_start3A_64] : memref<10240xf32, #tpu.memory_space<vmem_shared>> -> memref<10240xf32, #tpu.memory_space<vmem_shared>>
      tpu.enqueue_indirect_dma source(%arg6 : memref<128xf32, #tpu.memory_space<vmem>>) target(%dma_start3A_65 : memref<10240xf32, #tpu.memory_space<vmem_shared>>) offsets(%dma_start3A_63 : memref<128xi32, #tpu.memory_space<vmem>>) semaphore(%arg8 : memref<!tpu.dma_semaphore, #tpu.memory_space<semaphore_mem>>) {add = true}
    }
    %scan3A_53 = arith.constant 40 : i32
    %scan3A_54 = arith.constant 0 : i32
    %scan3A_55 = arith.constant 0 : i32
    %scan3A_56 = arith.constant 40 : i32
    %scan3A_57 = arith.addi %scan3A_55, %scan3A_56 : i32
    %scan3A_58 = arith.constant 1 : i32
    scf.for %scan3A_61 = %scan3A_55 to %scan3A_57 step %scan3A_58  : i32 {
      %dma_wait3A = arith.constant 0 : i32
      %dma_wait3A_62 = arith.constant 0 : i32
      %dma_wait3A_63 = tpu.memref_slice %arg5[%dma_wait3A, %dma_wait3A_62] : memref<40x128xi32, #tpu.memory_space<vmem>> -> memref<1x128xi32, #tpu.memory_space<vmem>>
      %dma_wait3A_64 = tpu.memref_squeeze %dma_wait3A_63 : memref<1x128xi32, #tpu.memory_space<vmem>> -> memref<128xi32, #tpu.memory_space<vmem>>
      %dma_wait3A_65 = arith.constant 0 : i32
      %dma_wait3A_66 = tpu.memref_slice %arg7[%dma_wait3A_65] : memref<10240xf32, #tpu.memory_space<vmem_shared>> -> memref<10240xf32, #tpu.memory_space<vmem_shared>>
      tpu.wait_indirect_dma semaphore(%arg8 : memref<!tpu.dma_semaphore, #tpu.memory_space<semaphore_mem>>) src(%arg6 : memref<128xf32, #tpu.memory_space<vmem>>) dst(%dma_wait3A_66 : memref<10240xf32, #tpu.memory_space<vmem_shared>>)
    }
    %scan3A_59 = arith.constant 40 : i32
    %barrier3A_60 = arith.constant 0 : index
    tpu.barrier barrier_id(%barrier3A_60)
    "tpu.region"() ({
      %run_scoped3A = tpu.sem_alloc : memref<!tpu.dma_semaphore, #tpu.memory_space<semaphore_mem>>
      %dma_start3A = tpu.memref_slice %arg4[%arg0, %mul3A_2] : memref<2x10240xf32, #tpu.memory_space<hbm>> -> memref<1x640xf32, #tpu.memory_space<hbm>>
      %dma_start3A_61 = tpu.memref_squeeze %dma_start3A : memref<1x640xf32, #tpu.memory_space<hbm>> -> memref<640xf32, #tpu.memory_space<hbm>>
      %dma_start3A_62 = tpu.memref_slice %arg7[%mul3A_2] : memref<10240xf32, #tpu.memory_space<vmem_shared>> -> memref<640xf32, #tpu.memory_space<vmem_shared>>
      tpu.enqueue_dma source(%dma_start3A_62 : memref<640xf32, #tpu.memory_space<vmem_shared>>) target(%dma_start3A_61 : memref<640xf32, #tpu.memory_space<hbm>>) target_semaphore(%run_scoped3A : memref<!tpu.dma_semaphore, #tpu.memory_space<semaphore_mem>>)
      %dma_wait3A = tpu.memref_slice %arg4[%arg0, %mul3A_2] : memref<2x10240xf32, #tpu.memory_space<hbm>> -> memref<1x640xf32, #tpu.memory_space<hbm>>
      %dma_wait3A_63 = tpu.memref_squeeze %dma_wait3A : memref<1x640xf32, #tpu.memory_space<hbm>> -> memref<640xf32, #tpu.memory_space<hbm>>
      %dma_wait3A_64 = tpu.memref_slice %arg7[%mul3A_2] : memref<10240xf32, #tpu.memory_space<vmem_shared>> -> memref<640xf32, #tpu.memory_space<vmem_shared>>
      tpu.wait_dma2 semaphore(%run_scoped3A : memref<!tpu.dma_semaphore, #tpu.memory_space<semaphore_mem>>) src(%dma_wait3A_64 : memref<640xf32, #tpu.memory_space<vmem_shared>>) dst(%dma_wait3A_63 : memref<640xf32, #tpu.memory_space<hbm>>)
      tpu.yield
    }) : () -> ()
    return
  }
}

#map = affine_map<(d0, d1) -> (0, 0)>
#map1 = affine_map<(d0, d1) -> (0, 0, 0)>
module attributes {stable_mosaic.version = 14 : i64} {
  func.func @_agg(%arg0: i32, %arg1: i32, %arg2: memref<10000x64xf32, #tpu.memory_space<hbm>>, %arg3: memref<32x40x128xi32, #tpu.memory_space<hbm>>, %arg4: memref<32x40x128xi32, #tpu.memory_space<hbm>>, %arg5: memref<10240x64xf32, #tpu.memory_space<hbm>>, %arg6: memref<2x10240x64xf32, #tpu.memory_space<hbm>>, %arg7: memref<40x128xi32, #tpu.memory_space<vmem>>, %arg8: memref<40x128xi32, #tpu.memory_space<vmem>>, %arg9: memref<128x64xf32, #tpu.memory_space<vmem>>, %arg10: memref<128x64xf32, #tpu.memory_space<vmem>>, %arg11: memref<128x64xf32, #tpu.memory_space<vmem>>, %arg12: memref<128x64xf32, #tpu.memory_space<vmem>>, %arg13: memref<10240x64xf32, #tpu.memory_space<vmem_shared>>, %arg14: memref<!tpu.dma_semaphore, #tpu.memory_space<semaphore_mem>>, %arg15: memref<!tpu.dma_semaphore, #tpu.memory_space<semaphore_mem>>, %arg16: memref<!tpu.dma_semaphore, #tpu.memory_space<semaphore_mem>>, %arg17: memref<!tpu.dma_semaphore, #tpu.memory_space<semaphore_mem>>, %arg18: memref<!tpu.dma_semaphore, #tpu.memory_space<semaphore_mem>>, %arg19: memref<!tpu.dma_semaphore, #tpu.memory_space<semaphore_mem>>, %arg20: memref<!tpu.dma_semaphore, #tpu.memory_space<semaphore_mem>>, %arg21: memref<!tpu.dma_semaphore, #tpu.memory_space<semaphore_mem>>) attributes {dimension_semantics = [#tpu.dimension_semantics<core_parallel>, #tpu.dimension_semantics<subcore_parallel>], iteration_bounds = array<i64: 2, 16>, scalar_prefetch = 0 : i64, scratch_operands = 15 : i64, tpu.core_type = #tpu.core_type<sc_vector_subcore>, window_params = [{transform_indices = #map}, {transform_indices = #map1}, {transform_indices = #map1}, {transform_indices = #map}, {transform_indices = #map1}]} {
    %mul3A = arith.constant 2 : i32
    %mul3A_0 = arith.muli %arg1, %mul3A : i32
    %add3A = arith.addi %mul3A_0, %arg0 : i32
    %mul3A_1 = arith.constant 640 : i32
    %mul3A_2 = arith.muli %arg1, %mul3A_1 : i32
    "tpu.region"() ({
      %run_scoped3A = tpu.sem_alloc : memref<!tpu.dma_semaphore, #tpu.memory_space<semaphore_mem>>
      %dma_start3A_36 = arith.constant 0 : i32
      %dma_start3A_37 = arith.constant 0 : i32
      %dma_start3A_38 = tpu.memref_slice %arg3[%add3A, %dma_start3A_36, %dma_start3A_37] : memref<32x40x128xi32, #tpu.memory_space<hbm>> -> memref<1x40x128xi32, #tpu.memory_space<hbm>>
      %dma_start3A_39 = tpu.memref_squeeze %dma_start3A_38 : memref<1x40x128xi32, #tpu.memory_space<hbm>> -> memref<40x128xi32, #tpu.memory_space<hbm>>
      %dma_start3A_40 = arith.constant 0 : i32
      %dma_start3A_41 = arith.constant 0 : i32
      %dma_start3A_42 = tpu.memref_slice %arg3[%add3A, %dma_start3A_40, %dma_start3A_41] : memref<32x40x128xi32, #tpu.memory_space<hbm>> -> memref<1x40x128xi32, #tpu.memory_space<hbm>>
      %dma_start3A_43 = tpu.memref_squeeze %dma_start3A_42 : memref<1x40x128xi32, #tpu.memory_space<hbm>> -> memref<40x128xi32, #tpu.memory_space<hbm>>
      tpu.enqueue_dma source(%dma_start3A_43 : memref<40x128xi32, #tpu.memory_space<hbm>>) target(%arg7 : memref<40x128xi32, #tpu.memory_space<vmem>>) target_semaphore(%run_scoped3A : memref<!tpu.dma_semaphore, #tpu.memory_space<semaphore_mem>>)
      %dma_wait3A = arith.constant 0 : i32
      %dma_wait3A_44 = arith.constant 0 : i32
      %dma_wait3A_45 = tpu.memref_slice %arg3[%add3A, %dma_wait3A, %dma_wait3A_44] : memref<32x40x128xi32, #tpu.memory_space<hbm>> -> memref<1x40x128xi32, #tpu.memory_space<hbm>>
      %dma_wait3A_46 = tpu.memref_squeeze %dma_wait3A_45 : memref<1x40x128xi32, #tpu.memory_space<hbm>> -> memref<40x128xi32, #tpu.memory_space<hbm>>
      %dma_wait3A_47 = arith.constant 0 : i32
      %dma_wait3A_48 = arith.constant 0 : i32
      %dma_wait3A_49 = tpu.memref_slice %arg3[%add3A, %dma_wait3A_47, %dma_wait3A_48] : memref<32x40x128xi32, #tpu.memory_space<hbm>> -> memref<1x40x128xi32, #tpu.memory_space<hbm>>
      %dma_wait3A_50 = tpu.memref_squeeze %dma_wait3A_49 : memref<1x40x128xi32, #tpu.memory_space<hbm>> -> memref<40x128xi32, #tpu.memory_space<hbm>>
      tpu.wait_dma2 semaphore(%run_scoped3A : memref<!tpu.dma_semaphore, #tpu.memory_space<semaphore_mem>>) src(%dma_wait3A_50 : memref<40x128xi32, #tpu.memory_space<hbm>>) dst(%arg7 : memref<40x128xi32, #tpu.memory_space<vmem>>)
      tpu.yield
    }) : () -> ()
    "tpu.region"() ({
      %run_scoped3A = tpu.sem_alloc : memref<!tpu.dma_semaphore, #tpu.memory_space<semaphore_mem>>
      %dma_start3A_36 = arith.constant 0 : i32
      %dma_start3A_37 = arith.constant 0 : i32
      %dma_start3A_38 = tpu.memref_slice %arg4[%add3A, %dma_start3A_36, %dma_start3A_37] : memref<32x40x128xi32, #tpu.memory_space<hbm>> -> memref<1x40x128xi32, #tpu.memory_space<hbm>>
      %dma_start3A_39 = tpu.memref_squeeze %dma_start3A_38 : memref<1x40x128xi32, #tpu.memory_space<hbm>> -> memref<40x128xi32, #tpu.memory_space<hbm>>
      %dma_start3A_40 = arith.constant 0 : i32
      %dma_start3A_41 = arith.constant 0 : i32
      %dma_start3A_42 = tpu.memref_slice %arg4[%add3A, %dma_start3A_40, %dma_start3A_41] : memref<32x40x128xi32, #tpu.memory_space<hbm>> -> memref<1x40x128xi32, #tpu.memory_space<hbm>>
      %dma_start3A_43 = tpu.memref_squeeze %dma_start3A_42 : memref<1x40x128xi32, #tpu.memory_space<hbm>> -> memref<40x128xi32, #tpu.memory_space<hbm>>
      tpu.enqueue_dma source(%dma_start3A_43 : memref<40x128xi32, #tpu.memory_space<hbm>>) target(%arg8 : memref<40x128xi32, #tpu.memory_space<vmem>>) target_semaphore(%run_scoped3A : memref<!tpu.dma_semaphore, #tpu.memory_space<semaphore_mem>>)
      %dma_wait3A = arith.constant 0 : i32
      %dma_wait3A_44 = arith.constant 0 : i32
      %dma_wait3A_45 = tpu.memref_slice %arg4[%add3A, %dma_wait3A, %dma_wait3A_44] : memref<32x40x128xi32, #tpu.memory_space<hbm>> -> memref<1x40x128xi32, #tpu.memory_space<hbm>>
      %dma_wait3A_46 = tpu.memref_squeeze %dma_wait3A_45 : memref<1x40x128xi32, #tpu.memory_space<hbm>> -> memref<40x128xi32, #tpu.memory_space<hbm>>
      %dma_wait3A_47 = arith.constant 0 : i32
      %dma_wait3A_48 = arith.constant 0 : i32
      %dma_wait3A_49 = tpu.memref_slice %arg4[%add3A, %dma_wait3A_47, %dma_wait3A_48] : memref<32x40x128xi32, #tpu.memory_space<hbm>> -> memref<1x40x128xi32, #tpu.memory_space<hbm>>
      %dma_wait3A_50 = tpu.memref_squeeze %dma_wait3A_49 : memref<1x40x128xi32, #tpu.memory_space<hbm>> -> memref<40x128xi32, #tpu.memory_space<hbm>>
      tpu.wait_dma2 semaphore(%run_scoped3A : memref<!tpu.dma_semaphore, #tpu.memory_space<semaphore_mem>>) src(%dma_wait3A_50 : memref<40x128xi32, #tpu.memory_space<hbm>>) dst(%arg8 : memref<40x128xi32, #tpu.memory_space<vmem>>)
      tpu.yield
    }) : () -> ()
    "tpu.region"() ({
      %run_scoped3A = tpu.sem_alloc : memref<!tpu.dma_semaphore, #tpu.memory_space<semaphore_mem>>
      %dma_start3A_36 = arith.constant 0 : i32
      %dma_start3A_37 = tpu.memref_slice %arg13[%mul3A_2, %dma_start3A_36] : memref<10240x64xf32, #tpu.memory_space<vmem_shared>> -> memref<640x64xf32, #tpu.memory_space<vmem_shared>>
      %dma_start3A_38 = arith.constant 0 : i32
      %dma_start3A_39 = tpu.memref_slice %arg5[%mul3A_2, %dma_start3A_38] : memref<10240x64xf32, #tpu.memory_space<hbm>> -> memref<640x64xf32, #tpu.memory_space<hbm>>
      tpu.enqueue_dma source(%dma_start3A_39 : memref<640x64xf32, #tpu.memory_space<hbm>>) target(%dma_start3A_37 : memref<640x64xf32, #tpu.memory_space<vmem_shared>>) target_semaphore(%run_scoped3A : memref<!tpu.dma_semaphore, #tpu.memory_space<semaphore_mem>>)
      %dma_wait3A = arith.constant 0 : i32
      %dma_wait3A_40 = tpu.memref_slice %arg13[%mul3A_2, %dma_wait3A] : memref<10240x64xf32, #tpu.memory_space<vmem_shared>> -> memref<640x64xf32, #tpu.memory_space<vmem_shared>>
      %dma_wait3A_41 = arith.constant 0 : i32
      %dma_wait3A_42 = tpu.memref_slice %arg5[%mul3A_2, %dma_wait3A_41] : memref<10240x64xf32, #tpu.memory_space<hbm>> -> memref<640x64xf32, #tpu.memory_space<hbm>>
      tpu.wait_dma2 semaphore(%run_scoped3A : memref<!tpu.dma_semaphore, #tpu.memory_space<semaphore_mem>>) src(%dma_wait3A_42 : memref<640x64xf32, #tpu.memory_space<hbm>>) dst(%dma_wait3A_40 : memref<640x64xf32, #tpu.memory_space<vmem_shared>>)
      tpu.yield
    }) : () -> ()
    %barrier3A = arith.constant 0 : index
    tpu.barrier barrier_id(%barrier3A)
    %dma_start3A = arith.constant 0 : i32
    %dma_start3A_3 = arith.constant 0 : i32
    %dma_start3A_4 = tpu.memref_slice %arg7[%dma_start3A, %dma_start3A_3] : memref<40x128xi32, #tpu.memory_space<vmem>> -> memref<1x128xi32, #tpu.memory_space<vmem>>
    %dma_start3A_5 = tpu.memref_squeeze %dma_start3A_4 : memref<1x128xi32, #tpu.memory_space<vmem>> -> memref<128xi32, #tpu.memory_space<vmem>>
    %dma_start3A_6 = arith.constant 0 : i32
    %dma_start3A_7 = arith.constant 0 : i32
    %dma_start3A_8 = tpu.memref_slice %arg2[%dma_start3A_6, %dma_start3A_7] : memref<10000x64xf32, #tpu.memory_space<hbm>> -> memref<10000x64xf32, #tpu.memory_space<hbm>>
    tpu.enqueue_indirect_dma source(%dma_start3A_8 : memref<10000x64xf32, #tpu.memory_space<hbm>>) target(%arg9 : memref<128x64xf32, #tpu.memory_space<vmem>>) offsets(%dma_start3A_5 : memref<128xi32, #tpu.memory_space<vmem>>) semaphore(%arg14 : memref<!tpu.dma_semaphore, #tpu.memory_space<semaphore_mem>>)
    %dma_start3A_9 = arith.constant 1 : i32
    %dma_start3A_10 = arith.constant 0 : i32
    %dma_start3A_11 = tpu.memref_slice %arg7[%dma_start3A_9, %dma_start3A_10] : memref<40x128xi32, #tpu.memory_space<vmem>> -> memref<1x128xi32, #tpu.memory_space<vmem>>
    %dma_start3A_12 = tpu.memref_squeeze %dma_start3A_11 : memref<1x128xi32, #tpu.memory_space<vmem>> -> memref<128xi32, #tpu.memory_space<vmem>>
    %dma_start3A_13 = arith.constant 0 : i32
    %dma_start3A_14 = arith.constant 0 : i32
    %dma_start3A_15 = tpu.memref_slice %arg2[%dma_start3A_13, %dma_start3A_14] : memref<10000x64xf32, #tpu.memory_space<hbm>> -> memref<10000x64xf32, #tpu.memory_space<hbm>>
    tpu.enqueue_indirect_dma source(%dma_start3A_15 : memref<10000x64xf32, #tpu.memory_space<hbm>>) target(%arg10 : memref<128x64xf32, #tpu.memory_space<vmem>>) offsets(%dma_start3A_12 : memref<128xi32, #tpu.memory_space<vmem>>) semaphore(%arg15 : memref<!tpu.dma_semaphore, #tpu.memory_space<semaphore_mem>>)
    %dma_start3A_16 = arith.constant 2 : i32
    %dma_start3A_17 = arith.constant 0 : i32
    %dma_start3A_18 = tpu.memref_slice %arg7[%dma_start3A_16, %dma_start3A_17] : memref<40x128xi32, #tpu.memory_space<vmem>> -> memref<1x128xi32, #tpu.memory_space<vmem>>
    %dma_start3A_19 = tpu.memref_squeeze %dma_start3A_18 : memref<1x128xi32, #tpu.memory_space<vmem>> -> memref<128xi32, #tpu.memory_space<vmem>>
    %dma_start3A_20 = arith.constant 0 : i32
    %dma_start3A_21 = arith.constant 0 : i32
    %dma_start3A_22 = tpu.memref_slice %arg2[%dma_start3A_20, %dma_start3A_21] : memref<10000x64xf32, #tpu.memory_space<hbm>> -> memref<10000x64xf32, #tpu.memory_space<hbm>>
    tpu.enqueue_indirect_dma source(%dma_start3A_22 : memref<10000x64xf32, #tpu.memory_space<hbm>>) target(%arg11 : memref<128x64xf32, #tpu.memory_space<vmem>>) offsets(%dma_start3A_19 : memref<128xi32, #tpu.memory_space<vmem>>) semaphore(%arg16 : memref<!tpu.dma_semaphore, #tpu.memory_space<semaphore_mem>>)
    %dma_start3A_23 = arith.constant 3 : i32
    %dma_start3A_24 = arith.constant 0 : i32
    %dma_start3A_25 = tpu.memref_slice %arg7[%dma_start3A_23, %dma_start3A_24] : memref<40x128xi32, #tpu.memory_space<vmem>> -> memref<1x128xi32, #tpu.memory_space<vmem>>
    %dma_start3A_26 = tpu.memref_squeeze %dma_start3A_25 : memref<1x128xi32, #tpu.memory_space<vmem>> -> memref<128xi32, #tpu.memory_space<vmem>>
    %dma_start3A_27 = arith.constant 0 : i32
    %dma_start3A_28 = arith.constant 0 : i32
    %dma_start3A_29 = tpu.memref_slice %arg2[%dma_start3A_27, %dma_start3A_28] : memref<10000x64xf32, #tpu.memory_space<hbm>> -> memref<10000x64xf32, #tpu.memory_space<hbm>>
    tpu.enqueue_indirect_dma source(%dma_start3A_29 : memref<10000x64xf32, #tpu.memory_space<hbm>>) target(%arg12 : memref<128x64xf32, #tpu.memory_space<vmem>>) offsets(%dma_start3A_26 : memref<128xi32, #tpu.memory_space<vmem>>) semaphore(%arg17 : memref<!tpu.dma_semaphore, #tpu.memory_space<semaphore_mem>>)
    %scan3A = arith.constant 0 : i32
    %scan3A_30 = arith.constant 0 : i32
    %scan3A_31 = arith.constant 10 : i32
    %scan3A_32 = arith.addi %scan3A_30, %scan3A_31 : i32
    %scan3A_33 = arith.constant 1 : i32
    scf.for %scan3A_36 = %scan3A_30 to %scan3A_32 step %scan3A_33  : i32 {
      %mul3A_37 = arith.constant 4 : i32
      %mul3A_38 = arith.muli %scan3A_36, %mul3A_37 : i32
      %add3A_39 = arith.constant 0 : i32
      %add3A_40 = arith.addi %mul3A_38, %add3A_39 : i32
      %dma_wait3A = arith.constant 0 : i32
      %dma_wait3A_41 = arith.constant 0 : i32
      %dma_wait3A_42 = tpu.memref_slice %arg2[%dma_wait3A, %dma_wait3A_41] : memref<10000x64xf32, #tpu.memory_space<hbm>> -> memref<128x64xf32, #tpu.memory_space<hbm>>
      %dma_wait3A_43 = arith.constant 0 : i32
      %dma_wait3A_44 = arith.constant 0 : i32
      %dma_wait3A_45 = tpu.memref_slice %arg2[%dma_wait3A_43, %dma_wait3A_44] : memref<10000x64xf32, #tpu.memory_space<hbm>> -> memref<128x64xf32, #tpu.memory_space<hbm>>
      tpu.wait_dma2 semaphore(%arg14 : memref<!tpu.dma_semaphore, #tpu.memory_space<semaphore_mem>>) src(%dma_wait3A_45 : memref<128x64xf32, #tpu.memory_space<hbm>>) dst(%arg9 : memref<128x64xf32, #tpu.memory_space<vmem>>)
      %dma_start3A_46 = arith.constant 0 : i32
      %dma_start3A_47 = tpu.memref_slice %arg8[%add3A_40, %dma_start3A_46] : memref<40x128xi32, #tpu.memory_space<vmem>> -> memref<1x128xi32, #tpu.memory_space<vmem>>
      %dma_start3A_48 = tpu.memref_squeeze %dma_start3A_47 : memref<1x128xi32, #tpu.memory_space<vmem>> -> memref<128xi32, #tpu.memory_space<vmem>>
      %dma_start3A_49 = arith.constant 0 : i32
      %dma_start3A_50 = arith.constant 0 : i32
      %dma_start3A_51 = tpu.memref_slice %arg13[%dma_start3A_49, %dma_start3A_50] : memref<10240x64xf32, #tpu.memory_space<vmem_shared>> -> memref<10240x64xf32, #tpu.memory_space<vmem_shared>>
      tpu.enqueue_indirect_dma source(%arg9 : memref<128x64xf32, #tpu.memory_space<vmem>>) target(%dma_start3A_51 : memref<10240x64xf32, #tpu.memory_space<vmem_shared>>) offsets(%dma_start3A_48 : memref<128xi32, #tpu.memory_space<vmem>>) semaphore(%arg18 : memref<!tpu.dma_semaphore, #tpu.memory_space<semaphore_mem>>) {add = true}
      %mul3A_52 = arith.constant 4 : i32
      %mul3A_53 = arith.muli %scan3A_36, %mul3A_52 : i32
      %add3A_54 = arith.constant 1 : i32
      %add3A_55 = arith.addi %mul3A_53, %add3A_54 : i32
      %dma_wait3A_56 = arith.constant 0 : i32
      %dma_wait3A_57 = arith.constant 0 : i32
      %dma_wait3A_58 = tpu.memref_slice %arg2[%dma_wait3A_56, %dma_wait3A_57] : memref<10000x64xf32, #tpu.memory_space<hbm>> -> memref<128x64xf32, #tpu.memory_space<hbm>>
      %dma_wait3A_59 = arith.constant 0 : i32
      %dma_wait3A_60 = arith.constant 0 : i32
      %dma_wait3A_61 = tpu.memref_slice %arg2[%dma_wait3A_59, %dma_wait3A_60] : memref<10000x64xf32, #tpu.memory_space<hbm>> -> memref<128x64xf32, #tpu.memory_space<hbm>>
      tpu.wait_dma2 semaphore(%arg15 : memref<!tpu.dma_semaphore, #tpu.memory_space<semaphore_mem>>) src(%dma_wait3A_61 : memref<128x64xf32, #tpu.memory_space<hbm>>) dst(%arg10 : memref<128x64xf32, #tpu.memory_space<vmem>>)
      %dma_start3A_62 = arith.constant 0 : i32
      %dma_start3A_63 = tpu.memref_slice %arg8[%add3A_55, %dma_start3A_62] : memref<40x128xi32, #tpu.memory_space<vmem>> -> memref<1x128xi32, #tpu.memory_space<vmem>>
      %dma_start3A_64 = tpu.memref_squeeze %dma_start3A_63 : memref<1x128xi32, #tpu.memory_space<vmem>> -> memref<128xi32, #tpu.memory_space<vmem>>
      %dma_start3A_65 = arith.constant 0 : i32
      %dma_start3A_66 = arith.constant 0 : i32
      %dma_start3A_67 = tpu.memref_slice %arg13[%dma_start3A_65, %dma_start3A_66] : memref<10240x64xf32, #tpu.memory_space<vmem_shared>> -> memref<10240x64xf32, #tpu.memory_space<vmem_shared>>
      tpu.enqueue_indirect_dma source(%arg10 : memref<128x64xf32, #tpu.memory_space<vmem>>) target(%dma_start3A_67 : memref<10240x64xf32, #tpu.memory_space<vmem_shared>>) offsets(%dma_start3A_64 : memref<128xi32, #tpu.memory_space<vmem>>) semaphore(%arg19 : memref<!tpu.dma_semaphore, #tpu.memory_space<semaphore_mem>>) {add = true}
      %mul3A_68 = arith.constant 4 : i32
      %mul3A_69 = arith.muli %scan3A_36, %mul3A_68 : i32
      %add3A_70 = arith.constant 2 : i32
      %add3A_71 = arith.addi %mul3A_69, %add3A_70 : i32
      %dma_wait3A_72 = arith.constant 0 : i32
      %dma_wait3A_73 = arith.constant 0 : i32
      %dma_wait3A_74 = tpu.memref_slice %arg2[%dma_wait3A_72, %dma_wait3A_73] : memref<10000x64xf32, #tpu.memory_space<hbm>> -> memref<128x64xf32, #tpu.memory_space<hbm>>
      %dma_wait3A_75 = arith.constant 0 : i32
      %dma_wait3A_76 = arith.constant 0 : i32
      %dma_wait3A_77 = tpu.memref_slice %arg2[%dma_wait3A_75, %dma_wait3A_76] : memref<10000x64xf32, #tpu.memory_space<hbm>> -> memref<128x64xf32, #tpu.memory_space<hbm>>
      tpu.wait_dma2 semaphore(%arg16 : memref<!tpu.dma_semaphore, #tpu.memory_space<semaphore_mem>>) src(%dma_wait3A_77 : memref<128x64xf32, #tpu.memory_space<hbm>>) dst(%arg11 : memref<128x64xf32, #tpu.memory_space<vmem>>)
      %dma_start3A_78 = arith.constant 0 : i32
      %dma_start3A_79 = tpu.memref_slice %arg8[%add3A_71, %dma_start3A_78] : memref<40x128xi32, #tpu.memory_space<vmem>> -> memref<1x128xi32, #tpu.memory_space<vmem>>
      %dma_start3A_80 = tpu.memref_squeeze %dma_start3A_79 : memref<1x128xi32, #tpu.memory_space<vmem>> -> memref<128xi32, #tpu.memory_space<vmem>>
      %dma_start3A_81 = arith.constant 0 : i32
      %dma_start3A_82 = arith.constant 0 : i32
      %dma_start3A_83 = tpu.memref_slice %arg13[%dma_start3A_81, %dma_start3A_82] : memref<10240x64xf32, #tpu.memory_space<vmem_shared>> -> memref<10240x64xf32, #tpu.memory_space<vmem_shared>>
      tpu.enqueue_indirect_dma source(%arg11 : memref<128x64xf32, #tpu.memory_space<vmem>>) target(%dma_start3A_83 : memref<10240x64xf32, #tpu.memory_space<vmem_shared>>) offsets(%dma_start3A_80 : memref<128xi32, #tpu.memory_space<vmem>>) semaphore(%arg20 : memref<!tpu.dma_semaphore, #tpu.memory_space<semaphore_mem>>) {add = true}
      %mul3A_84 = arith.constant 4 : i32
      %mul3A_85 = arith.muli %scan3A_36, %mul3A_84 : i32
      %add3A_86 = arith.constant 3 : i32
      %add3A_87 = arith.addi %mul3A_85, %add3A_86 : i32
      %dma_wait3A_88 = arith.constant 0 : i32
      %dma_wait3A_89 = arith.constant 0 : i32
      %dma_wait3A_90 = tpu.memref_slice %arg2[%dma_wait3A_88, %dma_wait3A_89] : memref<10000x64xf32, #tpu.memory_space<hbm>> -> memref<128x64xf32, #tpu.memory_space<hbm>>
      %dma_wait3A_91 = arith.constant 0 : i32
      %dma_wait3A_92 = arith.constant 0 : i32
      %dma_wait3A_93 = tpu.memref_slice %arg2[%dma_wait3A_91, %dma_wait3A_92] : memref<10000x64xf32, #tpu.memory_space<hbm>> -> memref<128x64xf32, #tpu.memory_space<hbm>>
      tpu.wait_dma2 semaphore(%arg17 : memref<!tpu.dma_semaphore, #tpu.memory_space<semaphore_mem>>) src(%dma_wait3A_93 : memref<128x64xf32, #tpu.memory_space<hbm>>) dst(%arg12 : memref<128x64xf32, #tpu.memory_space<vmem>>)
      %dma_start3A_94 = arith.constant 0 : i32
      %dma_start3A_95 = tpu.memref_slice %arg8[%add3A_87, %dma_start3A_94] : memref<40x128xi32, #tpu.memory_space<vmem>> -> memref<1x128xi32, #tpu.memory_space<vmem>>
      %dma_start3A_96 = tpu.memref_squeeze %dma_start3A_95 : memref<1x128xi32, #tpu.memory_space<vmem>> -> memref<128xi32, #tpu.memory_space<vmem>>
      %dma_start3A_97 = arith.constant 0 : i32
      %dma_start3A_98 = arith.constant 0 : i32
      %dma_start3A_99 = tpu.memref_slice %arg13[%dma_start3A_97, %dma_start3A_98] : memref<10240x64xf32, #tpu.memory_space<vmem_shared>> -> memref<10240x64xf32, #tpu.memory_space<vmem_shared>>
      tpu.enqueue_indirect_dma source(%arg12 : memref<128x64xf32, #tpu.memory_space<vmem>>) target(%dma_start3A_99 : memref<10240x64xf32, #tpu.memory_space<vmem_shared>>) offsets(%dma_start3A_96 : memref<128xi32, #tpu.memory_space<vmem>>) semaphore(%arg21 : memref<!tpu.dma_semaphore, #tpu.memory_space<semaphore_mem>>) {add = true}
      %mul3A_100 = arith.constant 4 : i32
      %mul3A_101 = arith.muli %scan3A_36, %mul3A_100 : i32
      %add3A_102 = arith.constant 0 : i32
      %add3A_103 = arith.addi %mul3A_101, %add3A_102 : i32
      %dma_wait3A_104 = arith.constant 0 : i32
      %dma_wait3A_105 = arith.constant 0 : i32
      %dma_wait3A_106 = tpu.memref_slice %arg2[%dma_wait3A_104, %dma_wait3A_105] : memref<10000x64xf32, #tpu.memory_space<hbm>> -> memref<128x64xf32, #tpu.memory_space<hbm>>
      %dma_wait3A_107 = arith.constant 0 : i32
      %dma_wait3A_108 = arith.constant 0 : i32
      %dma_wait3A_109 = tpu.memref_slice %arg2[%dma_wait3A_107, %dma_wait3A_108] : memref<10000x64xf32, #tpu.memory_space<hbm>> -> memref<128x64xf32, #tpu.memory_space<hbm>>
      tpu.wait_dma2 semaphore(%arg18 : memref<!tpu.dma_semaphore, #tpu.memory_space<semaphore_mem>>) src(%dma_wait3A_109 : memref<128x64xf32, #tpu.memory_space<hbm>>) dst(%arg9 : memref<128x64xf32, #tpu.memory_space<vmem>>)
      %add3A_110 = arith.constant 4 : i32
      %add3A_111 = arith.addi %add3A_103, %add3A_110 : i32
      %lt3A = arith.constant 40 : i32
      %lt3A_112 = arith.cmpi slt, %add3A_111, %lt3A : i32
      %convert_element_type3A = arith.extui %lt3A_112 : i1 to i32
      %cond3A = arith.constant 0 : i32
      %cond3A_113 = arith.cmpi ne, %convert_element_type3A, %cond3A : i32
      scf.if %cond3A_113 {
        %dma_start3A_165 = arith.constant 0 : i32
        %dma_start3A_166 = tpu.memref_slice %arg7[%add3A_111, %dma_start3A_165] : memref<40x128xi32, #tpu.memory_space<vmem>> -> memref<1x128xi32, #tpu.memory_space<vmem>>
        %dma_start3A_167 = tpu.memref_squeeze %dma_start3A_166 : memref<1x128xi32, #tpu.memory_space<vmem>> -> memref<128xi32, #tpu.memory_space<vmem>>
        %dma_start3A_168 = arith.constant 0 : i32
        %dma_start3A_169 = arith.constant 0 : i32
        %dma_start3A_170 = tpu.memref_slice %arg2[%dma_start3A_168, %dma_start3A_169] : memref<10000x64xf32, #tpu.memory_space<hbm>> -> memref<10000x64xf32, #tpu.memory_space<hbm>>
        tpu.enqueue_indirect_dma source(%dma_start3A_170 : memref<10000x64xf32, #tpu.memory_space<hbm>>) target(%arg9 : memref<128x64xf32, #tpu.memory_space<vmem>>) offsets(%dma_start3A_167 : memref<128xi32, #tpu.memory_space<vmem>>) semaphore(%arg14 : memref<!tpu.dma_semaphore, #tpu.memory_space<semaphore_mem>>)
      } else {
      }
      %mul3A_114 = arith.constant 4 : i32
      %mul3A_115 = arith.muli %scan3A_36, %mul3A_114 : i32
      %add3A_116 = arith.constant 1 : i32
      %add3A_117 = arith.addi %mul3A_115, %add3A_116 : i32
      %dma_wait3A_118 = arith.constant 0 : i32
      %dma_wait3A_119 = arith.constant 0 : i32
      %dma_wait3A_120 = tpu.memref_slice %arg2[%dma_wait3A_118, %dma_wait3A_119] : memref<10000x64xf32, #tpu.memory_space<hbm>> -> memref<128x64xf32, #tpu.memory_space<hbm>>
      %dma_wait3A_121 = arith.constant 0 : i32
      %dma_wait3A_122 = arith.constant 0 : i32
      %dma_wait3A_123 = tpu.memref_slice %arg2[%dma_wait3A_121, %dma_wait3A_122] : memref<10000x64xf32, #tpu.memory_space<hbm>> -> memref<128x64xf32, #tpu.memory_space<hbm>>
      tpu.wait_dma2 semaphore(%arg19 : memref<!tpu.dma_semaphore, #tpu.memory_space<semaphore_mem>>) src(%dma_wait3A_123 : memref<128x64xf32, #tpu.memory_space<hbm>>) dst(%arg10 : memref<128x64xf32, #tpu.memory_space<vmem>>)
      %add3A_124 = arith.constant 4 : i32
      %add3A_125 = arith.addi %add3A_117, %add3A_124 : i32
      %lt3A_126 = arith.constant 40 : i32
      %lt3A_127 = arith.cmpi slt, %add3A_125, %lt3A_126 : i32
      %convert_element_type3A_128 = arith.extui %lt3A_127 : i1 to i32
      %cond3A_129 = arith.constant 0 : i32
      %cond3A_130 = arith.cmpi ne, %convert_element_type3A_128, %cond3A_129 : i32
      scf.if %cond3A_130 {
        %dma_start3A_165 = arith.constant 0 : i32
        %dma_start3A_166 = tpu.memref_slice %arg7[%add3A_125, %dma_start3A_165] : memref<40x128xi32, #tpu.memory_space<vmem>> -> memref<1x128xi32, #tpu.memory_space<vmem>>
        %dma_start3A_167 = tpu.memref_squeeze %dma_start3A_166 : memref<1x128xi32, #tpu.memory_space<vmem>> -> memref<128xi32, #tpu.memory_space<vmem>>
        %dma_start3A_168 = arith.constant 0 : i32
        %dma_start3A_169 = arith.constant 0 : i32
        %dma_start3A_170 = tpu.memref_slice %arg2[%dma_start3A_168, %dma_start3A_169] : memref<10000x64xf32, #tpu.memory_space<hbm>> -> memref<10000x64xf32, #tpu.memory_space<hbm>>
        tpu.enqueue_indirect_dma source(%dma_start3A_170 : memref<10000x64xf32, #tpu.memory_space<hbm>>) target(%arg10 : memref<128x64xf32, #tpu.memory_space<vmem>>) offsets(%dma_start3A_167 : memref<128xi32, #tpu.memory_space<vmem>>) semaphore(%arg15 : memref<!tpu.dma_semaphore, #tpu.memory_space<semaphore_mem>>)
      } else {
      }
      %mul3A_131 = arith.constant 4 : i32
      %mul3A_132 = arith.muli %scan3A_36, %mul3A_131 : i32
      %add3A_133 = arith.constant 2 : i32
      %add3A_134 = arith.addi %mul3A_132, %add3A_133 : i32
      %dma_wait3A_135 = arith.constant 0 : i32
      %dma_wait3A_136 = arith.constant 0 : i32
      %dma_wait3A_137 = tpu.memref_slice %arg2[%dma_wait3A_135, %dma_wait3A_136] : memref<10000x64xf32, #tpu.memory_space<hbm>> -> memref<128x64xf32, #tpu.memory_space<hbm>>
      %dma_wait3A_138 = arith.constant 0 : i32
      %dma_wait3A_139 = arith.constant 0 : i32
      %dma_wait3A_140 = tpu.memref_slice %arg2[%dma_wait3A_138, %dma_wait3A_139] : memref<10000x64xf32, #tpu.memory_space<hbm>> -> memref<128x64xf32, #tpu.memory_space<hbm>>
      tpu.wait_dma2 semaphore(%arg20 : memref<!tpu.dma_semaphore, #tpu.memory_space<semaphore_mem>>) src(%dma_wait3A_140 : memref<128x64xf32, #tpu.memory_space<hbm>>) dst(%arg11 : memref<128x64xf32, #tpu.memory_space<vmem>>)
      %add3A_141 = arith.constant 4 : i32
      %add3A_142 = arith.addi %add3A_134, %add3A_141 : i32
      %lt3A_143 = arith.constant 40 : i32
      %lt3A_144 = arith.cmpi slt, %add3A_142, %lt3A_143 : i32
      %convert_element_type3A_145 = arith.extui %lt3A_144 : i1 to i32
      %cond3A_146 = arith.constant 0 : i32
      %cond3A_147 = arith.cmpi ne, %convert_element_type3A_145, %cond3A_146 : i32
      scf.if %cond3A_147 {
        %dma_start3A_165 = arith.constant 0 : i32
        %dma_start3A_166 = tpu.memref_slice %arg7[%add3A_142, %dma_start3A_165] : memref<40x128xi32, #tpu.memory_space<vmem>> -> memref<1x128xi32, #tpu.memory_space<vmem>>
        %dma_start3A_167 = tpu.memref_squeeze %dma_start3A_166 : memref<1x128xi32, #tpu.memory_space<vmem>> -> memref<128xi32, #tpu.memory_space<vmem>>
        %dma_start3A_168 = arith.constant 0 : i32
        %dma_start3A_169 = arith.constant 0 : i32
        %dma_start3A_170 = tpu.memref_slice %arg2[%dma_start3A_168, %dma_start3A_169] : memref<10000x64xf32, #tpu.memory_space<hbm>> -> memref<10000x64xf32, #tpu.memory_space<hbm>>
        tpu.enqueue_indirect_dma source(%dma_start3A_170 : memref<10000x64xf32, #tpu.memory_space<hbm>>) target(%arg11 : memref<128x64xf32, #tpu.memory_space<vmem>>) offsets(%dma_start3A_167 : memref<128xi32, #tpu.memory_space<vmem>>) semaphore(%arg16 : memref<!tpu.dma_semaphore, #tpu.memory_space<semaphore_mem>>)
      } else {
      }
      %mul3A_148 = arith.constant 4 : i32
      %mul3A_149 = arith.muli %scan3A_36, %mul3A_148 : i32
      %add3A_150 = arith.constant 3 : i32
      %add3A_151 = arith.addi %mul3A_149, %add3A_150 : i32
      %dma_wait3A_152 = arith.constant 0 : i32
      %dma_wait3A_153 = arith.constant 0 : i32
      %dma_wait3A_154 = tpu.memref_slice %arg2[%dma_wait3A_152, %dma_wait3A_153] : memref<10000x64xf32, #tpu.memory_space<hbm>> -> memref<128x64xf32, #tpu.memory_space<hbm>>
      %dma_wait3A_155 = arith.constant 0 : i32
      %dma_wait3A_156 = arith.constant 0 : i32
      %dma_wait3A_157 = tpu.memref_slice %arg2[%dma_wait3A_155, %dma_wait3A_156] : memref<10000x64xf32, #tpu.memory_space<hbm>> -> memref<128x64xf32, #tpu.memory_space<hbm>>
      tpu.wait_dma2 semaphore(%arg21 : memref<!tpu.dma_semaphore, #tpu.memory_space<semaphore_mem>>) src(%dma_wait3A_157 : memref<128x64xf32, #tpu.memory_space<hbm>>) dst(%arg12 : memref<128x64xf32, #tpu.memory_space<vmem>>)
      %add3A_158 = arith.constant 4 : i32
      %add3A_159 = arith.addi %add3A_151, %add3A_158 : i32
      %lt3A_160 = arith.constant 40 : i32
      %lt3A_161 = arith.cmpi slt, %add3A_159, %lt3A_160 : i32
      %convert_element_type3A_162 = arith.extui %lt3A_161 : i1 to i32
      %cond3A_163 = arith.constant 0 : i32
      %cond3A_164 = arith.cmpi ne, %convert_element_type3A_162, %cond3A_163 : i32
      scf.if %cond3A_164 {
        %dma_start3A_165 = arith.constant 0 : i32
        %dma_start3A_166 = tpu.memref_slice %arg7[%add3A_159, %dma_start3A_165] : memref<40x128xi32, #tpu.memory_space<vmem>> -> memref<1x128xi32, #tpu.memory_space<vmem>>
        %dma_start3A_167 = tpu.memref_squeeze %dma_start3A_166 : memref<1x128xi32, #tpu.memory_space<vmem>> -> memref<128xi32, #tpu.memory_space<vmem>>
        %dma_start3A_168 = arith.constant 0 : i32
        %dma_start3A_169 = arith.constant 0 : i32
        %dma_start3A_170 = tpu.memref_slice %arg2[%dma_start3A_168, %dma_start3A_169] : memref<10000x64xf32, #tpu.memory_space<hbm>> -> memref<10000x64xf32, #tpu.memory_space<hbm>>
        tpu.enqueue_indirect_dma source(%dma_start3A_170 : memref<10000x64xf32, #tpu.memory_space<hbm>>) target(%arg12 : memref<128x64xf32, #tpu.memory_space<vmem>>) offsets(%dma_start3A_167 : memref<128xi32, #tpu.memory_space<vmem>>) semaphore(%arg17 : memref<!tpu.dma_semaphore, #tpu.memory_space<semaphore_mem>>)
      } else {
      }
    }
    %scan3A_34 = arith.constant 10 : i32
    %barrier3A_35 = arith.constant 0 : index
    tpu.barrier barrier_id(%barrier3A_35)
    "tpu.region"() ({
      %run_scoped3A = tpu.sem_alloc : memref<!tpu.dma_semaphore, #tpu.memory_space<semaphore_mem>>
      %dma_start3A_36 = arith.constant 0 : i32
      %dma_start3A_37 = tpu.memref_slice %arg6[%arg0, %mul3A_2, %dma_start3A_36] : memref<2x10240x64xf32, #tpu.memory_space<hbm>> -> memref<1x640x64xf32, #tpu.memory_space<hbm>>
      %dma_start3A_38 = tpu.memref_squeeze %dma_start3A_37 : memref<1x640x64xf32, #tpu.memory_space<hbm>> -> memref<640x64xf32, #tpu.memory_space<hbm>>
      %dma_start3A_39 = arith.constant 0 : i32
      %dma_start3A_40 = tpu.memref_slice %arg13[%mul3A_2, %dma_start3A_39] : memref<10240x64xf32, #tpu.memory_space<vmem_shared>> -> memref<640x64xf32, #tpu.memory_space<vmem_shared>>
      tpu.enqueue_dma source(%dma_start3A_40 : memref<640x64xf32, #tpu.memory_space<vmem_shared>>) target(%dma_start3A_38 : memref<640x64xf32, #tpu.memory_space<hbm>>) target_semaphore(%run_scoped3A : memref<!tpu.dma_semaphore, #tpu.memory_space<semaphore_mem>>)
      %dma_wait3A = arith.constant 0 : i32
      %dma_wait3A_41 = tpu.memref_slice %arg6[%arg0, %mul3A_2, %dma_wait3A] : memref<2x10240x64xf32, #tpu.memory_space<hbm>> -> memref<1x640x64xf32, #tpu.memory_space<hbm>>
      %dma_wait3A_42 = tpu.memref_squeeze %dma_wait3A_41 : memref<1x640x64xf32, #tpu.memory_space<hbm>> -> memref<640x64xf32, #tpu.memory_space<hbm>>
      %dma_wait3A_43 = arith.constant 0 : i32
      %dma_wait3A_44 = tpu.memref_slice %arg13[%mul3A_2, %dma_wait3A_43] : memref<10240x64xf32, #tpu.memory_space<vmem_shared>> -> memref<640x64xf32, #tpu.memory_space<vmem_shared>>
      tpu.wait_dma2 semaphore(%run_scoped3A : memref<!tpu.dma_semaphore, #tpu.memory_space<semaphore_mem>>) src(%dma_wait3A_44 : memref<640x64xf32, #tpu.memory_space<vmem_shared>>) dst(%dma_wait3A_42 : memref<640x64xf32, #tpu.memory_space<hbm>>)
      tpu.yield
    }) : () -> ()
    return
  }
}

#map = affine_map<(d0, d1) -> (0, 0)>
#map1 = affine_map<(d0, d1) -> (0, 0, 0)>
module attributes {stable_mosaic.version = 14 : i64} {
  func.func @_agg(%arg0: i32, %arg1: i32, %arg2: memref<10000x32xf32, #tpu.memory_space<hbm>>, %arg3: memref<32x40x128xi32, #tpu.memory_space<hbm>>, %arg4: memref<32x40x128xi32, #tpu.memory_space<hbm>>, %arg5: memref<10240x32xf32, #tpu.memory_space<hbm>>, %arg6: memref<2x10240x32xf32, #tpu.memory_space<hbm>>, %arg7: memref<40x128xi32, #tpu.memory_space<vmem>>, %arg8: memref<40x128xi32, #tpu.memory_space<vmem>>, %arg9: memref<128x32xf32, #tpu.memory_space<vmem>>, %arg10: memref<128x32xf32, #tpu.memory_space<vmem>>, %arg11: memref<128x32xf32, #tpu.memory_space<vmem>>, %arg12: memref<128x32xf32, #tpu.memory_space<vmem>>, %arg13: memref<10240x32xf32, #tpu.memory_space<vmem_shared>>, %arg14: memref<!tpu.dma_semaphore, #tpu.memory_space<semaphore_mem>>, %arg15: memref<!tpu.dma_semaphore, #tpu.memory_space<semaphore_mem>>, %arg16: memref<!tpu.dma_semaphore, #tpu.memory_space<semaphore_mem>>, %arg17: memref<!tpu.dma_semaphore, #tpu.memory_space<semaphore_mem>>, %arg18: memref<!tpu.dma_semaphore, #tpu.memory_space<semaphore_mem>>, %arg19: memref<!tpu.dma_semaphore, #tpu.memory_space<semaphore_mem>>, %arg20: memref<!tpu.dma_semaphore, #tpu.memory_space<semaphore_mem>>, %arg21: memref<!tpu.dma_semaphore, #tpu.memory_space<semaphore_mem>>) attributes {dimension_semantics = [#tpu.dimension_semantics<core_parallel>, #tpu.dimension_semantics<subcore_parallel>], iteration_bounds = array<i64: 2, 16>, scalar_prefetch = 0 : i64, scratch_operands = 15 : i64, tpu.core_type = #tpu.core_type<sc_vector_subcore>, window_params = [{transform_indices = #map}, {transform_indices = #map1}, {transform_indices = #map1}, {transform_indices = #map}, {transform_indices = #map1}]} {
    %mul3A = arith.constant 2 : i32
    %mul3A_0 = arith.muli %arg1, %mul3A : i32
    %add3A = arith.addi %mul3A_0, %arg0 : i32
    %mul3A_1 = arith.constant 640 : i32
    %mul3A_2 = arith.muli %arg1, %mul3A_1 : i32
    "tpu.region"() ({
      %run_scoped3A = tpu.sem_alloc : memref<!tpu.dma_semaphore, #tpu.memory_space<semaphore_mem>>
      %dma_start3A_36 = arith.constant 0 : i32
      %dma_start3A_37 = arith.constant 0 : i32
      %dma_start3A_38 = tpu.memref_slice %arg3[%add3A, %dma_start3A_36, %dma_start3A_37] : memref<32x40x128xi32, #tpu.memory_space<hbm>> -> memref<1x40x128xi32, #tpu.memory_space<hbm>>
      %dma_start3A_39 = tpu.memref_squeeze %dma_start3A_38 : memref<1x40x128xi32, #tpu.memory_space<hbm>> -> memref<40x128xi32, #tpu.memory_space<hbm>>
      %dma_start3A_40 = arith.constant 0 : i32
      %dma_start3A_41 = arith.constant 0 : i32
      %dma_start3A_42 = tpu.memref_slice %arg3[%add3A, %dma_start3A_40, %dma_start3A_41] : memref<32x40x128xi32, #tpu.memory_space<hbm>> -> memref<1x40x128xi32, #tpu.memory_space<hbm>>
      %dma_start3A_43 = tpu.memref_squeeze %dma_start3A_42 : memref<1x40x128xi32, #tpu.memory_space<hbm>> -> memref<40x128xi32, #tpu.memory_space<hbm>>
      tpu.enqueue_dma source(%dma_start3A_43 : memref<40x128xi32, #tpu.memory_space<hbm>>) target(%arg7 : memref<40x128xi32, #tpu.memory_space<vmem>>) target_semaphore(%run_scoped3A : memref<!tpu.dma_semaphore, #tpu.memory_space<semaphore_mem>>)
      %dma_wait3A = arith.constant 0 : i32
      %dma_wait3A_44 = arith.constant 0 : i32
      %dma_wait3A_45 = tpu.memref_slice %arg3[%add3A, %dma_wait3A, %dma_wait3A_44] : memref<32x40x128xi32, #tpu.memory_space<hbm>> -> memref<1x40x128xi32, #tpu.memory_space<hbm>>
      %dma_wait3A_46 = tpu.memref_squeeze %dma_wait3A_45 : memref<1x40x128xi32, #tpu.memory_space<hbm>> -> memref<40x128xi32, #tpu.memory_space<hbm>>
      %dma_wait3A_47 = arith.constant 0 : i32
      %dma_wait3A_48 = arith.constant 0 : i32
      %dma_wait3A_49 = tpu.memref_slice %arg3[%add3A, %dma_wait3A_47, %dma_wait3A_48] : memref<32x40x128xi32, #tpu.memory_space<hbm>> -> memref<1x40x128xi32, #tpu.memory_space<hbm>>
      %dma_wait3A_50 = tpu.memref_squeeze %dma_wait3A_49 : memref<1x40x128xi32, #tpu.memory_space<hbm>> -> memref<40x128xi32, #tpu.memory_space<hbm>>
      tpu.wait_dma2 semaphore(%run_scoped3A : memref<!tpu.dma_semaphore, #tpu.memory_space<semaphore_mem>>) src(%dma_wait3A_50 : memref<40x128xi32, #tpu.memory_space<hbm>>) dst(%arg7 : memref<40x128xi32, #tpu.memory_space<vmem>>)
      tpu.yield
    }) : () -> ()
    "tpu.region"() ({
      %run_scoped3A = tpu.sem_alloc : memref<!tpu.dma_semaphore, #tpu.memory_space<semaphore_mem>>
      %dma_start3A_36 = arith.constant 0 : i32
      %dma_start3A_37 = arith.constant 0 : i32
      %dma_start3A_38 = tpu.memref_slice %arg4[%add3A, %dma_start3A_36, %dma_start3A_37] : memref<32x40x128xi32, #tpu.memory_space<hbm>> -> memref<1x40x128xi32, #tpu.memory_space<hbm>>
      %dma_start3A_39 = tpu.memref_squeeze %dma_start3A_38 : memref<1x40x128xi32, #tpu.memory_space<hbm>> -> memref<40x128xi32, #tpu.memory_space<hbm>>
      %dma_start3A_40 = arith.constant 0 : i32
      %dma_start3A_41 = arith.constant 0 : i32
      %dma_start3A_42 = tpu.memref_slice %arg4[%add3A, %dma_start3A_40, %dma_start3A_41] : memref<32x40x128xi32, #tpu.memory_space<hbm>> -> memref<1x40x128xi32, #tpu.memory_space<hbm>>
      %dma_start3A_43 = tpu.memref_squeeze %dma_start3A_42 : memref<1x40x128xi32, #tpu.memory_space<hbm>> -> memref<40x128xi32, #tpu.memory_space<hbm>>
      tpu.enqueue_dma source(%dma_start3A_43 : memref<40x128xi32, #tpu.memory_space<hbm>>) target(%arg8 : memref<40x128xi32, #tpu.memory_space<vmem>>) target_semaphore(%run_scoped3A : memref<!tpu.dma_semaphore, #tpu.memory_space<semaphore_mem>>)
      %dma_wait3A = arith.constant 0 : i32
      %dma_wait3A_44 = arith.constant 0 : i32
      %dma_wait3A_45 = tpu.memref_slice %arg4[%add3A, %dma_wait3A, %dma_wait3A_44] : memref<32x40x128xi32, #tpu.memory_space<hbm>> -> memref<1x40x128xi32, #tpu.memory_space<hbm>>
      %dma_wait3A_46 = tpu.memref_squeeze %dma_wait3A_45 : memref<1x40x128xi32, #tpu.memory_space<hbm>> -> memref<40x128xi32, #tpu.memory_space<hbm>>
      %dma_wait3A_47 = arith.constant 0 : i32
      %dma_wait3A_48 = arith.constant 0 : i32
      %dma_wait3A_49 = tpu.memref_slice %arg4[%add3A, %dma_wait3A_47, %dma_wait3A_48] : memref<32x40x128xi32, #tpu.memory_space<hbm>> -> memref<1x40x128xi32, #tpu.memory_space<hbm>>
      %dma_wait3A_50 = tpu.memref_squeeze %dma_wait3A_49 : memref<1x40x128xi32, #tpu.memory_space<hbm>> -> memref<40x128xi32, #tpu.memory_space<hbm>>
      tpu.wait_dma2 semaphore(%run_scoped3A : memref<!tpu.dma_semaphore, #tpu.memory_space<semaphore_mem>>) src(%dma_wait3A_50 : memref<40x128xi32, #tpu.memory_space<hbm>>) dst(%arg8 : memref<40x128xi32, #tpu.memory_space<vmem>>)
      tpu.yield
    }) : () -> ()
    "tpu.region"() ({
      %run_scoped3A = tpu.sem_alloc : memref<!tpu.dma_semaphore, #tpu.memory_space<semaphore_mem>>
      %dma_start3A_36 = arith.constant 0 : i32
      %dma_start3A_37 = tpu.memref_slice %arg13[%mul3A_2, %dma_start3A_36] : memref<10240x32xf32, #tpu.memory_space<vmem_shared>> -> memref<640x32xf32, #tpu.memory_space<vmem_shared>>
      %dma_start3A_38 = arith.constant 0 : i32
      %dma_start3A_39 = tpu.memref_slice %arg5[%mul3A_2, %dma_start3A_38] : memref<10240x32xf32, #tpu.memory_space<hbm>> -> memref<640x32xf32, #tpu.memory_space<hbm>>
      tpu.enqueue_dma source(%dma_start3A_39 : memref<640x32xf32, #tpu.memory_space<hbm>>) target(%dma_start3A_37 : memref<640x32xf32, #tpu.memory_space<vmem_shared>>) target_semaphore(%run_scoped3A : memref<!tpu.dma_semaphore, #tpu.memory_space<semaphore_mem>>)
      %dma_wait3A = arith.constant 0 : i32
      %dma_wait3A_40 = tpu.memref_slice %arg13[%mul3A_2, %dma_wait3A] : memref<10240x32xf32, #tpu.memory_space<vmem_shared>> -> memref<640x32xf32, #tpu.memory_space<vmem_shared>>
      %dma_wait3A_41 = arith.constant 0 : i32
      %dma_wait3A_42 = tpu.memref_slice %arg5[%mul3A_2, %dma_wait3A_41] : memref<10240x32xf32, #tpu.memory_space<hbm>> -> memref<640x32xf32, #tpu.memory_space<hbm>>
      tpu.wait_dma2 semaphore(%run_scoped3A : memref<!tpu.dma_semaphore, #tpu.memory_space<semaphore_mem>>) src(%dma_wait3A_42 : memref<640x32xf32, #tpu.memory_space<hbm>>) dst(%dma_wait3A_40 : memref<640x32xf32, #tpu.memory_space<vmem_shared>>)
      tpu.yield
    }) : () -> ()
    %barrier3A = arith.constant 0 : index
    tpu.barrier barrier_id(%barrier3A)
    %dma_start3A = arith.constant 0 : i32
    %dma_start3A_3 = arith.constant 0 : i32
    %dma_start3A_4 = tpu.memref_slice %arg7[%dma_start3A, %dma_start3A_3] : memref<40x128xi32, #tpu.memory_space<vmem>> -> memref<1x128xi32, #tpu.memory_space<vmem>>
    %dma_start3A_5 = tpu.memref_squeeze %dma_start3A_4 : memref<1x128xi32, #tpu.memory_space<vmem>> -> memref<128xi32, #tpu.memory_space<vmem>>
    %dma_start3A_6 = arith.constant 0 : i32
    %dma_start3A_7 = arith.constant 0 : i32
    %dma_start3A_8 = tpu.memref_slice %arg2[%dma_start3A_6, %dma_start3A_7] : memref<10000x32xf32, #tpu.memory_space<hbm>> -> memref<10000x32xf32, #tpu.memory_space<hbm>>
    tpu.enqueue_indirect_dma source(%dma_start3A_8 : memref<10000x32xf32, #tpu.memory_space<hbm>>) target(%arg9 : memref<128x32xf32, #tpu.memory_space<vmem>>) offsets(%dma_start3A_5 : memref<128xi32, #tpu.memory_space<vmem>>) semaphore(%arg14 : memref<!tpu.dma_semaphore, #tpu.memory_space<semaphore_mem>>)
    %dma_start3A_9 = arith.constant 1 : i32
    %dma_start3A_10 = arith.constant 0 : i32
    %dma_start3A_11 = tpu.memref_slice %arg7[%dma_start3A_9, %dma_start3A_10] : memref<40x128xi32, #tpu.memory_space<vmem>> -> memref<1x128xi32, #tpu.memory_space<vmem>>
    %dma_start3A_12 = tpu.memref_squeeze %dma_start3A_11 : memref<1x128xi32, #tpu.memory_space<vmem>> -> memref<128xi32, #tpu.memory_space<vmem>>
    %dma_start3A_13 = arith.constant 0 : i32
    %dma_start3A_14 = arith.constant 0 : i32
    %dma_start3A_15 = tpu.memref_slice %arg2[%dma_start3A_13, %dma_start3A_14] : memref<10000x32xf32, #tpu.memory_space<hbm>> -> memref<10000x32xf32, #tpu.memory_space<hbm>>
    tpu.enqueue_indirect_dma source(%dma_start3A_15 : memref<10000x32xf32, #tpu.memory_space<hbm>>) target(%arg10 : memref<128x32xf32, #tpu.memory_space<vmem>>) offsets(%dma_start3A_12 : memref<128xi32, #tpu.memory_space<vmem>>) semaphore(%arg15 : memref<!tpu.dma_semaphore, #tpu.memory_space<semaphore_mem>>)
    %dma_start3A_16 = arith.constant 2 : i32
    %dma_start3A_17 = arith.constant 0 : i32
    %dma_start3A_18 = tpu.memref_slice %arg7[%dma_start3A_16, %dma_start3A_17] : memref<40x128xi32, #tpu.memory_space<vmem>> -> memref<1x128xi32, #tpu.memory_space<vmem>>
    %dma_start3A_19 = tpu.memref_squeeze %dma_start3A_18 : memref<1x128xi32, #tpu.memory_space<vmem>> -> memref<128xi32, #tpu.memory_space<vmem>>
    %dma_start3A_20 = arith.constant 0 : i32
    %dma_start3A_21 = arith.constant 0 : i32
    %dma_start3A_22 = tpu.memref_slice %arg2[%dma_start3A_20, %dma_start3A_21] : memref<10000x32xf32, #tpu.memory_space<hbm>> -> memref<10000x32xf32, #tpu.memory_space<hbm>>
    tpu.enqueue_indirect_dma source(%dma_start3A_22 : memref<10000x32xf32, #tpu.memory_space<hbm>>) target(%arg11 : memref<128x32xf32, #tpu.memory_space<vmem>>) offsets(%dma_start3A_19 : memref<128xi32, #tpu.memory_space<vmem>>) semaphore(%arg16 : memref<!tpu.dma_semaphore, #tpu.memory_space<semaphore_mem>>)
    %dma_start3A_23 = arith.constant 3 : i32
    %dma_start3A_24 = arith.constant 0 : i32
    %dma_start3A_25 = tpu.memref_slice %arg7[%dma_start3A_23, %dma_start3A_24] : memref<40x128xi32, #tpu.memory_space<vmem>> -> memref<1x128xi32, #tpu.memory_space<vmem>>
    %dma_start3A_26 = tpu.memref_squeeze %dma_start3A_25 : memref<1x128xi32, #tpu.memory_space<vmem>> -> memref<128xi32, #tpu.memory_space<vmem>>
    %dma_start3A_27 = arith.constant 0 : i32
    %dma_start3A_28 = arith.constant 0 : i32
    %dma_start3A_29 = tpu.memref_slice %arg2[%dma_start3A_27, %dma_start3A_28] : memref<10000x32xf32, #tpu.memory_space<hbm>> -> memref<10000x32xf32, #tpu.memory_space<hbm>>
    tpu.enqueue_indirect_dma source(%dma_start3A_29 : memref<10000x32xf32, #tpu.memory_space<hbm>>) target(%arg12 : memref<128x32xf32, #tpu.memory_space<vmem>>) offsets(%dma_start3A_26 : memref<128xi32, #tpu.memory_space<vmem>>) semaphore(%arg17 : memref<!tpu.dma_semaphore, #tpu.memory_space<semaphore_mem>>)
    %scan3A = arith.constant 0 : i32
    %scan3A_30 = arith.constant 0 : i32
    %scan3A_31 = arith.constant 10 : i32
    %scan3A_32 = arith.addi %scan3A_30, %scan3A_31 : i32
    %scan3A_33 = arith.constant 1 : i32
    scf.for %scan3A_36 = %scan3A_30 to %scan3A_32 step %scan3A_33  : i32 {
      %mul3A_37 = arith.constant 4 : i32
      %mul3A_38 = arith.muli %scan3A_36, %mul3A_37 : i32
      %add3A_39 = arith.constant 0 : i32
      %add3A_40 = arith.addi %mul3A_38, %add3A_39 : i32
      %dma_wait3A = arith.constant 0 : i32
      %dma_wait3A_41 = arith.constant 0 : i32
      %dma_wait3A_42 = tpu.memref_slice %arg2[%dma_wait3A, %dma_wait3A_41] : memref<10000x32xf32, #tpu.memory_space<hbm>> -> memref<128x32xf32, #tpu.memory_space<hbm>>
      %dma_wait3A_43 = arith.constant 0 : i32
      %dma_wait3A_44 = arith.constant 0 : i32
      %dma_wait3A_45 = tpu.memref_slice %arg2[%dma_wait3A_43, %dma_wait3A_44] : memref<10000x32xf32, #tpu.memory_space<hbm>> -> memref<128x32xf32, #tpu.memory_space<hbm>>
      tpu.wait_dma2 semaphore(%arg14 : memref<!tpu.dma_semaphore, #tpu.memory_space<semaphore_mem>>) src(%dma_wait3A_45 : memref<128x32xf32, #tpu.memory_space<hbm>>) dst(%arg9 : memref<128x32xf32, #tpu.memory_space<vmem>>)
      %dma_start3A_46 = arith.constant 0 : i32
      %dma_start3A_47 = tpu.memref_slice %arg8[%add3A_40, %dma_start3A_46] : memref<40x128xi32, #tpu.memory_space<vmem>> -> memref<1x128xi32, #tpu.memory_space<vmem>>
      %dma_start3A_48 = tpu.memref_squeeze %dma_start3A_47 : memref<1x128xi32, #tpu.memory_space<vmem>> -> memref<128xi32, #tpu.memory_space<vmem>>
      %dma_start3A_49 = arith.constant 0 : i32
      %dma_start3A_50 = arith.constant 0 : i32
      %dma_start3A_51 = tpu.memref_slice %arg13[%dma_start3A_49, %dma_start3A_50] : memref<10240x32xf32, #tpu.memory_space<vmem_shared>> -> memref<10240x32xf32, #tpu.memory_space<vmem_shared>>
      tpu.enqueue_indirect_dma source(%arg9 : memref<128x32xf32, #tpu.memory_space<vmem>>) target(%dma_start3A_51 : memref<10240x32xf32, #tpu.memory_space<vmem_shared>>) offsets(%dma_start3A_48 : memref<128xi32, #tpu.memory_space<vmem>>) semaphore(%arg18 : memref<!tpu.dma_semaphore, #tpu.memory_space<semaphore_mem>>) {add = true}
      %mul3A_52 = arith.constant 4 : i32
      %mul3A_53 = arith.muli %scan3A_36, %mul3A_52 : i32
      %add3A_54 = arith.constant 1 : i32
      %add3A_55 = arith.addi %mul3A_53, %add3A_54 : i32
      %dma_wait3A_56 = arith.constant 0 : i32
      %dma_wait3A_57 = arith.constant 0 : i32
      %dma_wait3A_58 = tpu.memref_slice %arg2[%dma_wait3A_56, %dma_wait3A_57] : memref<10000x32xf32, #tpu.memory_space<hbm>> -> memref<128x32xf32, #tpu.memory_space<hbm>>
      %dma_wait3A_59 = arith.constant 0 : i32
      %dma_wait3A_60 = arith.constant 0 : i32
      %dma_wait3A_61 = tpu.memref_slice %arg2[%dma_wait3A_59, %dma_wait3A_60] : memref<10000x32xf32, #tpu.memory_space<hbm>> -> memref<128x32xf32, #tpu.memory_space<hbm>>
      tpu.wait_dma2 semaphore(%arg15 : memref<!tpu.dma_semaphore, #tpu.memory_space<semaphore_mem>>) src(%dma_wait3A_61 : memref<128x32xf32, #tpu.memory_space<hbm>>) dst(%arg10 : memref<128x32xf32, #tpu.memory_space<vmem>>)
      %dma_start3A_62 = arith.constant 0 : i32
      %dma_start3A_63 = tpu.memref_slice %arg8[%add3A_55, %dma_start3A_62] : memref<40x128xi32, #tpu.memory_space<vmem>> -> memref<1x128xi32, #tpu.memory_space<vmem>>
      %dma_start3A_64 = tpu.memref_squeeze %dma_start3A_63 : memref<1x128xi32, #tpu.memory_space<vmem>> -> memref<128xi32, #tpu.memory_space<vmem>>
      %dma_start3A_65 = arith.constant 0 : i32
      %dma_start3A_66 = arith.constant 0 : i32
      %dma_start3A_67 = tpu.memref_slice %arg13[%dma_start3A_65, %dma_start3A_66] : memref<10240x32xf32, #tpu.memory_space<vmem_shared>> -> memref<10240x32xf32, #tpu.memory_space<vmem_shared>>
      tpu.enqueue_indirect_dma source(%arg10 : memref<128x32xf32, #tpu.memory_space<vmem>>) target(%dma_start3A_67 : memref<10240x32xf32, #tpu.memory_space<vmem_shared>>) offsets(%dma_start3A_64 : memref<128xi32, #tpu.memory_space<vmem>>) semaphore(%arg19 : memref<!tpu.dma_semaphore, #tpu.memory_space<semaphore_mem>>) {add = true}
      %mul3A_68 = arith.constant 4 : i32
      %mul3A_69 = arith.muli %scan3A_36, %mul3A_68 : i32
      %add3A_70 = arith.constant 2 : i32
      %add3A_71 = arith.addi %mul3A_69, %add3A_70 : i32
      %dma_wait3A_72 = arith.constant 0 : i32
      %dma_wait3A_73 = arith.constant 0 : i32
      %dma_wait3A_74 = tpu.memref_slice %arg2[%dma_wait3A_72, %dma_wait3A_73] : memref<10000x32xf32, #tpu.memory_space<hbm>> -> memref<128x32xf32, #tpu.memory_space<hbm>>
      %dma_wait3A_75 = arith.constant 0 : i32
      %dma_wait3A_76 = arith.constant 0 : i32
      %dma_wait3A_77 = tpu.memref_slice %arg2[%dma_wait3A_75, %dma_wait3A_76] : memref<10000x32xf32, #tpu.memory_space<hbm>> -> memref<128x32xf32, #tpu.memory_space<hbm>>
      tpu.wait_dma2 semaphore(%arg16 : memref<!tpu.dma_semaphore, #tpu.memory_space<semaphore_mem>>) src(%dma_wait3A_77 : memref<128x32xf32, #tpu.memory_space<hbm>>) dst(%arg11 : memref<128x32xf32, #tpu.memory_space<vmem>>)
      %dma_start3A_78 = arith.constant 0 : i32
      %dma_start3A_79 = tpu.memref_slice %arg8[%add3A_71, %dma_start3A_78] : memref<40x128xi32, #tpu.memory_space<vmem>> -> memref<1x128xi32, #tpu.memory_space<vmem>>
      %dma_start3A_80 = tpu.memref_squeeze %dma_start3A_79 : memref<1x128xi32, #tpu.memory_space<vmem>> -> memref<128xi32, #tpu.memory_space<vmem>>
      %dma_start3A_81 = arith.constant 0 : i32
      %dma_start3A_82 = arith.constant 0 : i32
      %dma_start3A_83 = tpu.memref_slice %arg13[%dma_start3A_81, %dma_start3A_82] : memref<10240x32xf32, #tpu.memory_space<vmem_shared>> -> memref<10240x32xf32, #tpu.memory_space<vmem_shared>>
      tpu.enqueue_indirect_dma source(%arg11 : memref<128x32xf32, #tpu.memory_space<vmem>>) target(%dma_start3A_83 : memref<10240x32xf32, #tpu.memory_space<vmem_shared>>) offsets(%dma_start3A_80 : memref<128xi32, #tpu.memory_space<vmem>>) semaphore(%arg20 : memref<!tpu.dma_semaphore, #tpu.memory_space<semaphore_mem>>) {add = true}
      %mul3A_84 = arith.constant 4 : i32
      %mul3A_85 = arith.muli %scan3A_36, %mul3A_84 : i32
      %add3A_86 = arith.constant 3 : i32
      %add3A_87 = arith.addi %mul3A_85, %add3A_86 : i32
      %dma_wait3A_88 = arith.constant 0 : i32
      %dma_wait3A_89 = arith.constant 0 : i32
      %dma_wait3A_90 = tpu.memref_slice %arg2[%dma_wait3A_88, %dma_wait3A_89] : memref<10000x32xf32, #tpu.memory_space<hbm>> -> memref<128x32xf32, #tpu.memory_space<hbm>>
      %dma_wait3A_91 = arith.constant 0 : i32
      %dma_wait3A_92 = arith.constant 0 : i32
      %dma_wait3A_93 = tpu.memref_slice %arg2[%dma_wait3A_91, %dma_wait3A_92] : memref<10000x32xf32, #tpu.memory_space<hbm>> -> memref<128x32xf32, #tpu.memory_space<hbm>>
      tpu.wait_dma2 semaphore(%arg17 : memref<!tpu.dma_semaphore, #tpu.memory_space<semaphore_mem>>) src(%dma_wait3A_93 : memref<128x32xf32, #tpu.memory_space<hbm>>) dst(%arg12 : memref<128x32xf32, #tpu.memory_space<vmem>>)
      %dma_start3A_94 = arith.constant 0 : i32
      %dma_start3A_95 = tpu.memref_slice %arg8[%add3A_87, %dma_start3A_94] : memref<40x128xi32, #tpu.memory_space<vmem>> -> memref<1x128xi32, #tpu.memory_space<vmem>>
      %dma_start3A_96 = tpu.memref_squeeze %dma_start3A_95 : memref<1x128xi32, #tpu.memory_space<vmem>> -> memref<128xi32, #tpu.memory_space<vmem>>
      %dma_start3A_97 = arith.constant 0 : i32
      %dma_start3A_98 = arith.constant 0 : i32
      %dma_start3A_99 = tpu.memref_slice %arg13[%dma_start3A_97, %dma_start3A_98] : memref<10240x32xf32, #tpu.memory_space<vmem_shared>> -> memref<10240x32xf32, #tpu.memory_space<vmem_shared>>
      tpu.enqueue_indirect_dma source(%arg12 : memref<128x32xf32, #tpu.memory_space<vmem>>) target(%dma_start3A_99 : memref<10240x32xf32, #tpu.memory_space<vmem_shared>>) offsets(%dma_start3A_96 : memref<128xi32, #tpu.memory_space<vmem>>) semaphore(%arg21 : memref<!tpu.dma_semaphore, #tpu.memory_space<semaphore_mem>>) {add = true}
      %mul3A_100 = arith.constant 4 : i32
      %mul3A_101 = arith.muli %scan3A_36, %mul3A_100 : i32
      %add3A_102 = arith.constant 0 : i32
      %add3A_103 = arith.addi %mul3A_101, %add3A_102 : i32
      %dma_wait3A_104 = arith.constant 0 : i32
      %dma_wait3A_105 = arith.constant 0 : i32
      %dma_wait3A_106 = tpu.memref_slice %arg2[%dma_wait3A_104, %dma_wait3A_105] : memref<10000x32xf32, #tpu.memory_space<hbm>> -> memref<128x32xf32, #tpu.memory_space<hbm>>
      %dma_wait3A_107 = arith.constant 0 : i32
      %dma_wait3A_108 = arith.constant 0 : i32
      %dma_wait3A_109 = tpu.memref_slice %arg2[%dma_wait3A_107, %dma_wait3A_108] : memref<10000x32xf32, #tpu.memory_space<hbm>> -> memref<128x32xf32, #tpu.memory_space<hbm>>
      tpu.wait_dma2 semaphore(%arg18 : memref<!tpu.dma_semaphore, #tpu.memory_space<semaphore_mem>>) src(%dma_wait3A_109 : memref<128x32xf32, #tpu.memory_space<hbm>>) dst(%arg9 : memref<128x32xf32, #tpu.memory_space<vmem>>)
      %add3A_110 = arith.constant 4 : i32
      %add3A_111 = arith.addi %add3A_103, %add3A_110 : i32
      %lt3A = arith.constant 40 : i32
      %lt3A_112 = arith.cmpi slt, %add3A_111, %lt3A : i32
      %convert_element_type3A = arith.extui %lt3A_112 : i1 to i32
      %cond3A = arith.constant 0 : i32
      %cond3A_113 = arith.cmpi ne, %convert_element_type3A, %cond3A : i32
      scf.if %cond3A_113 {
        %dma_start3A_165 = arith.constant 0 : i32
        %dma_start3A_166 = tpu.memref_slice %arg7[%add3A_111, %dma_start3A_165] : memref<40x128xi32, #tpu.memory_space<vmem>> -> memref<1x128xi32, #tpu.memory_space<vmem>>
        %dma_start3A_167 = tpu.memref_squeeze %dma_start3A_166 : memref<1x128xi32, #tpu.memory_space<vmem>> -> memref<128xi32, #tpu.memory_space<vmem>>
        %dma_start3A_168 = arith.constant 0 : i32
        %dma_start3A_169 = arith.constant 0 : i32
        %dma_start3A_170 = tpu.memref_slice %arg2[%dma_start3A_168, %dma_start3A_169] : memref<10000x32xf32, #tpu.memory_space<hbm>> -> memref<10000x32xf32, #tpu.memory_space<hbm>>
        tpu.enqueue_indirect_dma source(%dma_start3A_170 : memref<10000x32xf32, #tpu.memory_space<hbm>>) target(%arg9 : memref<128x32xf32, #tpu.memory_space<vmem>>) offsets(%dma_start3A_167 : memref<128xi32, #tpu.memory_space<vmem>>) semaphore(%arg14 : memref<!tpu.dma_semaphore, #tpu.memory_space<semaphore_mem>>)
      } else {
      }
      %mul3A_114 = arith.constant 4 : i32
      %mul3A_115 = arith.muli %scan3A_36, %mul3A_114 : i32
      %add3A_116 = arith.constant 1 : i32
      %add3A_117 = arith.addi %mul3A_115, %add3A_116 : i32
      %dma_wait3A_118 = arith.constant 0 : i32
      %dma_wait3A_119 = arith.constant 0 : i32
      %dma_wait3A_120 = tpu.memref_slice %arg2[%dma_wait3A_118, %dma_wait3A_119] : memref<10000x32xf32, #tpu.memory_space<hbm>> -> memref<128x32xf32, #tpu.memory_space<hbm>>
      %dma_wait3A_121 = arith.constant 0 : i32
      %dma_wait3A_122 = arith.constant 0 : i32
      %dma_wait3A_123 = tpu.memref_slice %arg2[%dma_wait3A_121, %dma_wait3A_122] : memref<10000x32xf32, #tpu.memory_space<hbm>> -> memref<128x32xf32, #tpu.memory_space<hbm>>
      tpu.wait_dma2 semaphore(%arg19 : memref<!tpu.dma_semaphore, #tpu.memory_space<semaphore_mem>>) src(%dma_wait3A_123 : memref<128x32xf32, #tpu.memory_space<hbm>>) dst(%arg10 : memref<128x32xf32, #tpu.memory_space<vmem>>)
      %add3A_124 = arith.constant 4 : i32
      %add3A_125 = arith.addi %add3A_117, %add3A_124 : i32
      %lt3A_126 = arith.constant 40 : i32
      %lt3A_127 = arith.cmpi slt, %add3A_125, %lt3A_126 : i32
      %convert_element_type3A_128 = arith.extui %lt3A_127 : i1 to i32
      %cond3A_129 = arith.constant 0 : i32
      %cond3A_130 = arith.cmpi ne, %convert_element_type3A_128, %cond3A_129 : i32
      scf.if %cond3A_130 {
        %dma_start3A_165 = arith.constant 0 : i32
        %dma_start3A_166 = tpu.memref_slice %arg7[%add3A_125, %dma_start3A_165] : memref<40x128xi32, #tpu.memory_space<vmem>> -> memref<1x128xi32, #tpu.memory_space<vmem>>
        %dma_start3A_167 = tpu.memref_squeeze %dma_start3A_166 : memref<1x128xi32, #tpu.memory_space<vmem>> -> memref<128xi32, #tpu.memory_space<vmem>>
        %dma_start3A_168 = arith.constant 0 : i32
        %dma_start3A_169 = arith.constant 0 : i32
        %dma_start3A_170 = tpu.memref_slice %arg2[%dma_start3A_168, %dma_start3A_169] : memref<10000x32xf32, #tpu.memory_space<hbm>> -> memref<10000x32xf32, #tpu.memory_space<hbm>>
        tpu.enqueue_indirect_dma source(%dma_start3A_170 : memref<10000x32xf32, #tpu.memory_space<hbm>>) target(%arg10 : memref<128x32xf32, #tpu.memory_space<vmem>>) offsets(%dma_start3A_167 : memref<128xi32, #tpu.memory_space<vmem>>) semaphore(%arg15 : memref<!tpu.dma_semaphore, #tpu.memory_space<semaphore_mem>>)
      } else {
      }
      %mul3A_131 = arith.constant 4 : i32
      %mul3A_132 = arith.muli %scan3A_36, %mul3A_131 : i32
      %add3A_133 = arith.constant 2 : i32
      %add3A_134 = arith.addi %mul3A_132, %add3A_133 : i32
      %dma_wait3A_135 = arith.constant 0 : i32
      %dma_wait3A_136 = arith.constant 0 : i32
      %dma_wait3A_137 = tpu.memref_slice %arg2[%dma_wait3A_135, %dma_wait3A_136] : memref<10000x32xf32, #tpu.memory_space<hbm>> -> memref<128x32xf32, #tpu.memory_space<hbm>>
      %dma_wait3A_138 = arith.constant 0 : i32
      %dma_wait3A_139 = arith.constant 0 : i32
      %dma_wait3A_140 = tpu.memref_slice %arg2[%dma_wait3A_138, %dma_wait3A_139] : memref<10000x32xf32, #tpu.memory_space<hbm>> -> memref<128x32xf32, #tpu.memory_space<hbm>>
      tpu.wait_dma2 semaphore(%arg20 : memref<!tpu.dma_semaphore, #tpu.memory_space<semaphore_mem>>) src(%dma_wait3A_140 : memref<128x32xf32, #tpu.memory_space<hbm>>) dst(%arg11 : memref<128x32xf32, #tpu.memory_space<vmem>>)
      %add3A_141 = arith.constant 4 : i32
      %add3A_142 = arith.addi %add3A_134, %add3A_141 : i32
      %lt3A_143 = arith.constant 40 : i32
      %lt3A_144 = arith.cmpi slt, %add3A_142, %lt3A_143 : i32
      %convert_element_type3A_145 = arith.extui %lt3A_144 : i1 to i32
      %cond3A_146 = arith.constant 0 : i32
      %cond3A_147 = arith.cmpi ne, %convert_element_type3A_145, %cond3A_146 : i32
      scf.if %cond3A_147 {
        %dma_start3A_165 = arith.constant 0 : i32
        %dma_start3A_166 = tpu.memref_slice %arg7[%add3A_142, %dma_start3A_165] : memref<40x128xi32, #tpu.memory_space<vmem>> -> memref<1x128xi32, #tpu.memory_space<vmem>>
        %dma_start3A_167 = tpu.memref_squeeze %dma_start3A_166 : memref<1x128xi32, #tpu.memory_space<vmem>> -> memref<128xi32, #tpu.memory_space<vmem>>
        %dma_start3A_168 = arith.constant 0 : i32
        %dma_start3A_169 = arith.constant 0 : i32
        %dma_start3A_170 = tpu.memref_slice %arg2[%dma_start3A_168, %dma_start3A_169] : memref<10000x32xf32, #tpu.memory_space<hbm>> -> memref<10000x32xf32, #tpu.memory_space<hbm>>
        tpu.enqueue_indirect_dma source(%dma_start3A_170 : memref<10000x32xf32, #tpu.memory_space<hbm>>) target(%arg11 : memref<128x32xf32, #tpu.memory_space<vmem>>) offsets(%dma_start3A_167 : memref<128xi32, #tpu.memory_space<vmem>>) semaphore(%arg16 : memref<!tpu.dma_semaphore, #tpu.memory_space<semaphore_mem>>)
      } else {
      }
      %mul3A_148 = arith.constant 4 : i32
      %mul3A_149 = arith.muli %scan3A_36, %mul3A_148 : i32
      %add3A_150 = arith.constant 3 : i32
      %add3A_151 = arith.addi %mul3A_149, %add3A_150 : i32
      %dma_wait3A_152 = arith.constant 0 : i32
      %dma_wait3A_153 = arith.constant 0 : i32
      %dma_wait3A_154 = tpu.memref_slice %arg2[%dma_wait3A_152, %dma_wait3A_153] : memref<10000x32xf32, #tpu.memory_space<hbm>> -> memref<128x32xf32, #tpu.memory_space<hbm>>
      %dma_wait3A_155 = arith.constant 0 : i32
      %dma_wait3A_156 = arith.constant 0 : i32
      %dma_wait3A_157 = tpu.memref_slice %arg2[%dma_wait3A_155, %dma_wait3A_156] : memref<10000x32xf32, #tpu.memory_space<hbm>> -> memref<128x32xf32, #tpu.memory_space<hbm>>
      tpu.wait_dma2 semaphore(%arg21 : memref<!tpu.dma_semaphore, #tpu.memory_space<semaphore_mem>>) src(%dma_wait3A_157 : memref<128x32xf32, #tpu.memory_space<hbm>>) dst(%arg12 : memref<128x32xf32, #tpu.memory_space<vmem>>)
      %add3A_158 = arith.constant 4 : i32
      %add3A_159 = arith.addi %add3A_151, %add3A_158 : i32
      %lt3A_160 = arith.constant 40 : i32
      %lt3A_161 = arith.cmpi slt, %add3A_159, %lt3A_160 : i32
      %convert_element_type3A_162 = arith.extui %lt3A_161 : i1 to i32
      %cond3A_163 = arith.constant 0 : i32
      %cond3A_164 = arith.cmpi ne, %convert_element_type3A_162, %cond3A_163 : i32
      scf.if %cond3A_164 {
        %dma_start3A_165 = arith.constant 0 : i32
        %dma_start3A_166 = tpu.memref_slice %arg7[%add3A_159, %dma_start3A_165] : memref<40x128xi32, #tpu.memory_space<vmem>> -> memref<1x128xi32, #tpu.memory_space<vmem>>
        %dma_start3A_167 = tpu.memref_squeeze %dma_start3A_166 : memref<1x128xi32, #tpu.memory_space<vmem>> -> memref<128xi32, #tpu.memory_space<vmem>>
        %dma_start3A_168 = arith.constant 0 : i32
        %dma_start3A_169 = arith.constant 0 : i32
        %dma_start3A_170 = tpu.memref_slice %arg2[%dma_start3A_168, %dma_start3A_169] : memref<10000x32xf32, #tpu.memory_space<hbm>> -> memref<10000x32xf32, #tpu.memory_space<hbm>>
        tpu.enqueue_indirect_dma source(%dma_start3A_170 : memref<10000x32xf32, #tpu.memory_space<hbm>>) target(%arg12 : memref<128x32xf32, #tpu.memory_space<vmem>>) offsets(%dma_start3A_167 : memref<128xi32, #tpu.memory_space<vmem>>) semaphore(%arg17 : memref<!tpu.dma_semaphore, #tpu.memory_space<semaphore_mem>>)
      } else {
      }
    }
    %scan3A_34 = arith.constant 10 : i32
    %barrier3A_35 = arith.constant 0 : index
    tpu.barrier barrier_id(%barrier3A_35)
    "tpu.region"() ({
      %run_scoped3A = tpu.sem_alloc : memref<!tpu.dma_semaphore, #tpu.memory_space<semaphore_mem>>
      %dma_start3A_36 = arith.constant 0 : i32
      %dma_start3A_37 = tpu.memref_slice %arg6[%arg0, %mul3A_2, %dma_start3A_36] : memref<2x10240x32xf32, #tpu.memory_space<hbm>> -> memref<1x640x32xf32, #tpu.memory_space<hbm>>
      %dma_start3A_38 = tpu.memref_squeeze %dma_start3A_37 : memref<1x640x32xf32, #tpu.memory_space<hbm>> -> memref<640x32xf32, #tpu.memory_space<hbm>>
      %dma_start3A_39 = arith.constant 0 : i32
      %dma_start3A_40 = tpu.memref_slice %arg13[%mul3A_2, %dma_start3A_39] : memref<10240x32xf32, #tpu.memory_space<vmem_shared>> -> memref<640x32xf32, #tpu.memory_space<vmem_shared>>
      tpu.enqueue_dma source(%dma_start3A_40 : memref<640x32xf32, #tpu.memory_space<vmem_shared>>) target(%dma_start3A_38 : memref<640x32xf32, #tpu.memory_space<hbm>>) target_semaphore(%run_scoped3A : memref<!tpu.dma_semaphore, #tpu.memory_space<semaphore_mem>>)
      %dma_wait3A = arith.constant 0 : i32
      %dma_wait3A_41 = tpu.memref_slice %arg6[%arg0, %mul3A_2, %dma_wait3A] : memref<2x10240x32xf32, #tpu.memory_space<hbm>> -> memref<1x640x32xf32, #tpu.memory_space<hbm>>
      %dma_wait3A_42 = tpu.memref_squeeze %dma_wait3A_41 : memref<1x640x32xf32, #tpu.memory_space<hbm>> -> memref<640x32xf32, #tpu.memory_space<hbm>>
      %dma_wait3A_43 = arith.constant 0 : i32
      %dma_wait3A_44 = tpu.memref_slice %arg13[%mul3A_2, %dma_wait3A_43] : memref<10240x32xf32, #tpu.memory_space<vmem_shared>> -> memref<640x32xf32, #tpu.memory_space<vmem_shared>>
      tpu.wait_dma2 semaphore(%run_scoped3A : memref<!tpu.dma_semaphore, #tpu.memory_space<semaphore_mem>>) src(%dma_wait3A_44 : memref<640x32xf32, #tpu.memory_space<vmem_shared>>) dst(%dma_wait3A_42 : memref<640x32xf32, #tpu.memory_space<hbm>>)
      tpu.yield
    }) : () -> ()
    return
  }
}

module attributes {stable_mosaic.version = 14 : i64} {
  func.func @_mm1_body(%arg0: memref<10000x128xf32, #tpu.memory_space<vmem>>, %arg1: memref<128x64xf32, #tpu.memory_space<vmem>>, %arg2: memref<10000x64xf32, #tpu.memory_space<vmem>>) attributes {dimension_semantics = [], scalar_prefetch = 0 : i64, scratch_operands = 0 : i64, tpu.core_type = #tpu.core_type<tc>} {
    %get3A = arith.constant 0 : index
    %get3A_0 = arith.constant 0 : index
    %get3A_1 = vector.load %arg0[%get3A, %get3A_0] : memref<10000x128xf32, #tpu.memory_space<vmem>>, vector<10000x128xf32>
    %get3A_2 = arith.constant 0 : index
    %get3A_3 = arith.constant 0 : index
    %get3A_4 = vector.load %arg1[%get3A_2, %get3A_3] : memref<128x64xf32, #tpu.memory_space<vmem>>, vector<128x64xf32>
    %dot_general3A = arith.constant dense<0.000000e+00> : vector<10000x64xf32>
    %dot_general3A_5 = tpu.matmul %get3A_1, %get3A_4, %dot_general3A {dimension_numbers = #tpu.dot_dimension_numbers<[1], [0], [0], [1], [0, 0, 1, 1], [], []>, transpose_lhs_hint = false} : vector<10000x128xf32>, vector<128x64xf32>, vector<10000x64xf32> -> vector<10000x64xf32>
    %swap3A = arith.constant 0 : index
    %swap3A_6 = arith.constant 0 : index
    %swap3A_7 = vector.load %arg2[%swap3A, %swap3A_6] : memref<10000x64xf32, #tpu.memory_space<vmem>>, vector<10000x64xf32>
    tpu.vector_store %arg2[%swap3A, %swap3A_6], %dot_general3A_5 {strides = array<i32>} : memref<10000x64xf32, #tpu.memory_space<vmem>>, vector<10000x64xf32>,
    return
  }
}

module attributes {stable_mosaic.version = 14 : i64} {
  func.func @_scale_body(%arg0: memref<10000x64xf32, #tpu.memory_space<vmem>>, %arg1: memref<10000x1xf32, #tpu.memory_space<vmem>>, %arg2: memref<10000x1xf32, #tpu.memory_space<vmem>>, %arg3: memref<10000x64xf32, #tpu.memory_space<vmem>>) attributes {dimension_semantics = [], scalar_prefetch = 0 : i64, scratch_operands = 0 : i64, tpu.core_type = #tpu.core_type<tc>} {
    %get3A = arith.constant 0 : index
    %get3A_0 = arith.constant 0 : index
    %get3A_1 = vector.load %arg1[%get3A, %get3A_0] : memref<10000x1xf32, #tpu.memory_space<vmem>>, vector<10000x1xf32>
    %get3A_2 = arith.constant 0 : index
    %get3A_3 = arith.constant 0 : index
    %get3A_4 = vector.load %arg2[%get3A_2, %get3A_3] : memref<10000x1xf32, #tpu.memory_space<vmem>>, vector<10000x1xf32>
    %add3A = arith.addf %get3A_1, %get3A_4 : vector<10000x1xf32>
    %add3A_5 = arith.constant 1.000000e+00 : f32
    %add3A_6 = vector.broadcast %add3A_5 : f32 to vector<10000x1xf32>
    %add3A_7 = arith.addf %add3A, %add3A_6 : vector<10000x1xf32>
    %rsqrt3A = math.rsqrt %add3A_7 : vector<10000x1xf32>
    %get3A_8 = arith.constant 0 : index
    %get3A_9 = arith.constant 0 : index
    %get3A_10 = vector.load %arg0[%get3A_8, %get3A_9] : memref<10000x64xf32, #tpu.memory_space<vmem>>, vector<10000x64xf32>
    %mul3A = vector.broadcast %rsqrt3A : vector<10000x1xf32> to vector<10000x64xf32>
    %mul3A_11 = arith.mulf %get3A_10, %mul3A : vector<10000x64xf32>
    %swap3A = arith.constant 0 : index
    %swap3A_12 = arith.constant 0 : index
    %swap3A_13 = vector.load %arg3[%swap3A, %swap3A_12] : memref<10000x64xf32, #tpu.memory_space<vmem>>, vector<10000x64xf32>
    tpu.vector_store %arg3[%swap3A, %swap3A_12], %mul3A_11 {strides = array<i32>} : memref<10000x64xf32, #tpu.memory_space<vmem>>, vector<10000x64xf32>,
    return
  }
}

module attributes {stable_mosaic.version = 14 : i64} {
  func.func @_l1l2_body(%arg0: memref<10000x64xf32, #tpu.memory_space<vmem>>, %arg1: memref<10000x64xf32, #tpu.memory_space<vmem>>, %arg2: memref<10000x64xf32, #tpu.memory_space<vmem>>, %arg3: memref<10000x1xf32, #tpu.memory_space<vmem>>, %arg4: memref<10000x1xf32, #tpu.memory_space<vmem>>, %arg5: memref<1x64xf32, #tpu.memory_space<vmem>>, %arg6: memref<64x32xf32, #tpu.memory_space<vmem>>, %arg7: memref<10000x32xf32, #tpu.memory_space<vmem>>) attributes {dimension_semantics = [], scalar_prefetch = 0 : i64, scratch_operands = 0 : i64, tpu.core_type = #tpu.core_type<tc>} {
    %get3A = arith.constant 0 : index
    %get3A_0 = arith.constant 0 : index
    %get3A_1 = vector.load %arg3[%get3A, %get3A_0] : memref<10000x1xf32, #tpu.memory_space<vmem>>, vector<10000x1xf32>
    %get3A_2 = arith.constant 0 : index
    %get3A_3 = arith.constant 0 : index
    %get3A_4 = vector.load %arg4[%get3A_2, %get3A_3] : memref<10000x1xf32, #tpu.memory_space<vmem>>, vector<10000x1xf32>
    %add3A = arith.addf %get3A_1, %get3A_4 : vector<10000x1xf32>
    %add3A_5 = arith.constant 1.000000e+00 : f32
    %add3A_6 = vector.broadcast %add3A_5 : f32 to vector<10000x1xf32>
    %add3A_7 = arith.addf %add3A, %add3A_6 : vector<10000x1xf32>
    %rsqrt3A = math.rsqrt %add3A_7 : vector<10000x1xf32>
    %get3A_8 = arith.constant 0 : index
    %get3A_9 = arith.constant 0 : index
    %get3A_10 = vector.load %arg0[%get3A_8, %get3A_9] : memref<10000x64xf32, #tpu.memory_space<vmem>>, vector<10000x64xf32>
    %get3A_11 = arith.constant 0 : index
    %get3A_12 = arith.constant 0 : index
    %get3A_13 = vector.load %arg1[%get3A_11, %get3A_12] : memref<10000x64xf32, #tpu.memory_space<vmem>>, vector<10000x64xf32>
    %add3A_14 = arith.addf %get3A_10, %get3A_13 : vector<10000x64xf32>
    %get3A_15 = arith.constant 0 : index
    %get3A_16 = arith.constant 0 : index
    %get3A_17 = vector.load %arg2[%get3A_15, %get3A_16] : memref<10000x64xf32, #tpu.memory_space<vmem>>, vector<10000x64xf32>
    %add3A_18 = arith.addf %add3A_14, %get3A_17 : vector<10000x64xf32>
    %mul3A = vector.broadcast %rsqrt3A : vector<10000x1xf32> to vector<10000x64xf32>
    %mul3A_19 = arith.mulf %mul3A, %add3A_18 : vector<10000x64xf32>
    %get3A_20 = arith.constant 0 : index
    %get3A_21 = arith.constant 0 : index
    %get3A_22 = vector.load %arg5[%get3A_20, %get3A_21] : memref<1x64xf32, #tpu.memory_space<vmem>>, vector<1x64xf32>
    %add3A_23 = vector.broadcast %get3A_22 : vector<1x64xf32> to vector<10000x64xf32>
    %add3A_24 = arith.addf %mul3A_19, %add3A_23 : vector<10000x64xf32>
    %ge3A = arith.constant 0.000000e+00 : f32
    %ge3A_25 = vector.broadcast %ge3A : f32 to vector<10000x64xf32>
    %ge3A_26 = arith.cmpf oge, %add3A_24, %ge3A_25 : vector<10000x64xf32>
    %mul3A_27 = arith.constant 0.00999999977 : f32
    %mul3A_28 = vector.broadcast %mul3A_27 : f32 to vector<10000x64xf32>
    %mul3A_29 = arith.mulf %mul3A_28, %add3A_24 : vector<10000x64xf32>
    %select_n3A = arith.select %ge3A_26, %add3A_24, %mul3A_29 : vector<10000x64xi1>, vector<10000x64xf32>
    %get3A_30 = arith.constant 0 : index
    %get3A_31 = arith.constant 0 : index
    %get3A_32 = vector.load %arg6[%get3A_30, %get3A_31] : memref<64x32xf32, #tpu.memory_space<vmem>>, vector<64x32xf32>
    %dot_general3A = arith.constant dense<0.000000e+00> : vector<10000x32xf32>
    %dot_general3A_33 = tpu.matmul %select_n3A, %get3A_32, %dot_general3A {dimension_numbers = #tpu.dot_dimension_numbers<[1], [0], [0], [1], [0, 0, 1, 1], [], []>, transpose_lhs_hint = false} : vector<10000x64xf32>, vector<64x32xf32>, vector<10000x32xf32> -> vector<10000x32xf32>
    %mul3A_34 = vector.broadcast %rsqrt3A : vector<10000x1xf32> to vector<10000x32xf32>
    %mul3A_35 = arith.mulf %dot_general3A_33, %mul3A_34 : vector<10000x32xf32>
    %swap3A = arith.constant 0 : index
    %swap3A_36 = arith.constant 0 : index
    %swap3A_37 = vector.load %arg7[%swap3A, %swap3A_36] : memref<10000x32xf32, #tpu.memory_space<vmem>>, vector<10000x32xf32>
    tpu.vector_store %arg7[%swap3A, %swap3A_36], %mul3A_35 {strides = array<i32>} : memref<10000x32xf32, #tpu.memory_space<vmem>>, vector<10000x32xf32>,
    return
  }
}

module attributes {stable_mosaic.version = 14 : i64} {
  func.func @_fin_body(%arg0: memref<10000x32xf32, #tpu.memory_space<vmem>>, %arg1: memref<10000x32xf32, #tpu.memory_space<vmem>>, %arg2: memref<10000x32xf32, #tpu.memory_space<vmem>>, %arg3: memref<10000x1xf32, #tpu.memory_space<vmem>>, %arg4: memref<10000x1xf32, #tpu.memory_space<vmem>>, %arg5: memref<1x32xf32, #tpu.memory_space<vmem>>, %arg6: memref<10000x32xf32, #tpu.memory_space<vmem>>) attributes {dimension_semantics = [], scalar_prefetch = 0 : i64, scratch_operands = 0 : i64, tpu.core_type = #tpu.core_type<tc>} {
    %get3A = arith.constant 0 : index
    %get3A_0 = arith.constant 0 : index
    %get3A_1 = vector.load %arg3[%get3A, %get3A_0] : memref<10000x1xf32, #tpu.memory_space<vmem>>, vector<10000x1xf32>
    %get3A_2 = arith.constant 0 : index
    %get3A_3 = arith.constant 0 : index
    %get3A_4 = vector.load %arg4[%get3A_2, %get3A_3] : memref<10000x1xf32, #tpu.memory_space<vmem>>, vector<10000x1xf32>
    %add3A = arith.addf %get3A_1, %get3A_4 : vector<10000x1xf32>
    %add3A_5 = arith.constant 1.000000e+00 : f32
    %add3A_6 = vector.broadcast %add3A_5 : f32 to vector<10000x1xf32>
    %add3A_7 = arith.addf %add3A, %add3A_6 : vector<10000x1xf32>
    %rsqrt3A = math.rsqrt %add3A_7 : vector<10000x1xf32>
    %get3A_8 = arith.constant 0 : index
    %get3A_9 = arith.constant 0 : index
    %get3A_10 = vector.load %arg0[%get3A_8, %get3A_9] : memref<10000x32xf32, #tpu.memory_space<vmem>>, vector<10000x32xf32>
    %get3A_11 = arith.constant 0 : index
    %get3A_12 = arith.constant 0 : index
    %get3A_13 = vector.load %arg1[%get3A_11, %get3A_12] : memref<10000x32xf32, #tpu.memory_space<vmem>>, vector<10000x32xf32>
    %add3A_14 = arith.addf %get3A_10, %get3A_13 : vector<10000x32xf32>
    %get3A_15 = arith.constant 0 : index
    %get3A_16 = arith.constant 0 : index
    %get3A_17 = vector.load %arg2[%get3A_15, %get3A_16] : memref<10000x32xf32, #tpu.memory_space<vmem>>, vector<10000x32xf32>
    %add3A_18 = arith.addf %add3A_14, %get3A_17 : vector<10000x32xf32>
    %mul3A = vector.broadcast %rsqrt3A : vector<10000x1xf32> to vector<10000x32xf32>
    %mul3A_19 = arith.mulf %mul3A, %add3A_18 : vector<10000x32xf32>
    %get3A_20 = arith.constant 0 : index
    %get3A_21 = arith.constant 0 : index
    %get3A_22 = vector.load %arg5[%get3A_20, %get3A_21] : memref<1x32xf32, #tpu.memory_space<vmem>>, vector<1x32xf32>
    %add3A_23 = vector.broadcast %get3A_22 : vector<1x32xf32> to vector<10000x32xf32>
    %add3A_24 = arith.addf %mul3A_19, %add3A_23 : vector<10000x32xf32>
    %ge3A = arith.constant 0.000000e+00 : f32
    %ge3A_25 = vector.broadcast %ge3A : f32 to vector<10000x32xf32>
    %ge3A_26 = arith.cmpf oge, %add3A_24, %ge3A_25 : vector<10000x32xf32>
    %mul3A_27 = arith.constant 0.00999999977 : f32
    %mul3A_28 = vector.broadcast %mul3A_27 : f32 to vector<10000x32xf32>
    %mul3A_29 = arith.mulf %mul3A_28, %add3A_24 : vector<10000x32xf32>
    %select_n3A = arith.select %ge3A_26, %add3A_24, %mul3A_29 : vector<10000x32xi1>, vector<10000x32xf32>
    %swap3A = arith.constant 0 : index
    %swap3A_30 = arith.constant 0 : index
    %swap3A_31 = vector.load %arg6[%swap3A, %swap3A_30] : memref<10000x32xf32, #tpu.memory_space<vmem>>, vector<10000x32xf32>
    tpu.vector_store %arg6[%swap3A, %swap3A_30], %select_n3A {strides = array<i32>} : memref<10000x32xf32, #tpu.memory_space<vmem>>, vector<10000x32xf32>,
    return
  }
}

module attributes {stable_mosaic.version = 14 : i64} {
  func.func @_dec_body(%arg0: i32, %arg1: i32, %arg2: memref<512x32xf32, #tpu.memory_space<vmem>>, %arg3: memref<2048x32xf32, #tpu.memory_space<vmem>>, %arg4: memref<512x2048xf32, #tpu.memory_space<vmem>>) attributes {dimension_semantics = [#tpu.dimension_semantics<arbitrary>, #tpu.dimension_semantics<arbitrary>], iteration_bounds = array<i64: 20, 5>, scalar_prefetch = 0 : i64, scratch_operands = 0 : i64, tpu.core_type = #tpu.core_type<tc>, window_params = [{transform_indices = @transform_0, window_bounds = array<i64: 512, 32>}, {transform_indices = @transform_1, window_bounds = array<i64: 2048, 32>}, {transform_indices = @transform_2, window_bounds = array<i64: 512, 2048>}]} {
    %get3A = arith.constant 0 : index
    %get3A_0 = arith.constant 0 : index
    %get3A_1 = vector.load %arg2[%get3A, %get3A_0] : memref<512x32xf32, #tpu.memory_space<vmem>>, vector<512x32xf32>
    %get3A_2 = arith.constant 0 : index
    %get3A_3 = arith.constant 0 : index
    %get3A_4 = vector.load %arg3[%get3A_2, %get3A_3] : memref<2048x32xf32, #tpu.memory_space<vmem>>, vector<2048x32xf32>
    %dot_general3A = arith.constant dense<0.000000e+00> : vector<512x2048xf32>
    %dot_general3A_5 = tpu.matmul %get3A_1, %get3A_4, %dot_general3A {dimension_numbers = #tpu.dot_dimension_numbers<[1], [1], [0], [0], [0, 0, 1, 0], [], []>, transpose_lhs_hint = false} : vector<512x32xf32>, vector<2048x32xf32>, vector<512x2048xf32> -> vector<512x2048xf32>
    %mul3A = arith.constant 5.000000e-01 : f32
    %mul3A_6 = vector.broadcast %mul3A : f32 to vector<512x2048xf32>
    %mul3A_7 = arith.mulf %mul3A_6, %dot_general3A_5 : vector<512x2048xf32>
    %tanh3A = math.tanh %mul3A_7 : vector<512x2048xf32>
    %mul3A_8 = arith.constant 5.000000e-01 : f32
    %mul3A_9 = vector.broadcast %mul3A_8 : f32 to vector<512x2048xf32>
    %mul3A_10 = arith.mulf %mul3A_9, %tanh3A : vector<512x2048xf32>
    %add3A = arith.constant 5.000000e-01 : f32
    %add3A_11 = vector.broadcast %add3A : f32 to vector<512x2048xf32>
    %add3A_12 = arith.addf %add3A_11, %mul3A_10 : vector<512x2048xf32>
    %swap3A = arith.constant 0 : index
    %swap3A_13 = arith.constant 0 : index
    %swap3A_14 = vector.load %arg4[%swap3A, %swap3A_13] : memref<512x2048xf32, #tpu.memory_space<vmem>>, vector<512x2048xf32>
    tpu.vector_store %arg4[%swap3A, %swap3A_13], %add3A_12 {strides = array<i32>} : memref<512x2048xf32, #tpu.memory_space<vmem>>, vector<512x2048xf32>,
    return
  }
  func.func @transform_0(%arg0: i32, %arg1: i32) -> (i32, i32) {
    %c0_i32 = arith.constant 0 : i32
    %c0_i32_0 = arith.constant 0 : i32
    return %arg0, %c0_i32 : i32, i32
  }
  func.func @transform_1(%arg0: i32, %arg1: i32) -> (i32, i32) {
    %c0_i32 = arith.constant 0 : i32
    %c0_i32_0 = arith.constant 0 : i32
    return %arg1, %c0_i32 : i32, i32
  }
  func.func @transform_2(%arg0: i32, %arg1: i32) -> (i32, i32) {
    %c0_i32 = arith.constant 0 : i32
    return %arg0, %arg1 : i32, i32
  }
}

</mosaic_0001>

<sc_bundles>
// kernel: kernel.10.cloned.1.call-start
scs
__scs_entry_jumppad:
0x0: {  	(pc) =	sbr.rel $0x88, $3  }
0x1: {  	(tag) =	ssettag $0x0;
	lr =	simm.s32 $0x1  }
0x2: {  	[smem:$0x3F9B] =	sst lr;
	_ =	strace $0xD0000000  }
0x3: {  	_ = 	snop  }
0x4: {  	_ = 	snop  }
0x5: {  	_ = 	snop  }
0x6: {  	_ = 	snop  }
0x7: {  	_ = 	snop  }
__scs_overlays_trampoline_lowered:
0x8: {  	[smem:$0x3FAA] =	sst s0  }
0x9: {  	[smem:$0x3FAB] =	sst s1  }
0xa: {  	[smem:$0x3FAC] =	sst s2  }
0xb: {  	[smem:$0x3FAD] =	sst s3  }
0xc: {  	[smem:$0x3FAE] =	sst s4  }
0xd: {  	[smem:$0x3FAF] =	sst s5  }
0xe: {  	[smem:$0x3FB0] =	sst s6  }
0xf: {  	[smem:$0x3FB1] =	sst s7  }
0x10: {  	[smem:$0x3FB2] =	sst s8  }
0x11: {  	[smem:$0x3FB3] =	sst s9;
	s0 =	simm.s32 @!p0 $0x0  }
0x12: {  	s1 =	sld [smem:$0x3F99];
	s0 =	simm.s32 @p0 $0x1  }
0x13: {  	[smem:$0x3FB4] =	sst s0;
	s0 =	simm.s32 @!p1 $0x0  }
0x14: {  	s2 =	sld [smem:$0x3F98];
	s0 =	simm.s32 @p1 $0x1  }
0x15: {  	[smem:$0x3FB5] =	sst s0;
	s0 =	simm.s32 @!p2 $0x0  }
0x16: {  	s3 =	sld [smem:$0x3FDB];
	s0 =	simm.s32 @p2 $0x1  }
0x17: {  	s4 =	simm.s32 $0x1BF5;
	[smem:$0x3FB7] =	sst s0  }
0x18: {  	s0 =	sld [smem:$0x3F9A];
	_ =	swait.ge [sflag:s4], $0x0  }
0x19: {  	s7 =	sld [smem:$0x3F9B]  }
0x1a: {  	s8 =	sadd.s32 $0xFFFFE003, lr  }
0x1b: {  	s9 =	sadd.s32 $0xFFFFFEF7, lr;
	s5 =	simm.s32 $0xFFFFFFFF;
	p2 =	slt.u32 s8, $0xFFFFF086  }
0x1c: {  	p1 =	slt.u32 s9, $0xF7A;
	s5 =	simm.s32 @!p2 $0x0  }
0x1d: {  	s5 =	simm.s32 @p1 $0x1;
	p0 =	seq.s32 s7, s2  }
0x1e: {  	s7 =	smul.u32 @!p0 $0xF7A, s2;
	p2 =	seq.s32 @!p0 s5, $0x0  }
0x1f: {  	s9 =	smul.u32 $0xF7A, s1;
	s8 =	simm.s32 @!p0 $0x1BF5;
	p2 =	por !p2, p0  }
0x20: {  	[sflag:s8] =	ssyncset.s32 @!p0 $0xFFFFF086;
	s6 =	sadd.s32 @!p0 s3, s7;
	s7 =	simm.s32 @!p0 $0x108  }
0x21: {  	s3 =	sadd.s32 s3, s9;
	s6 =	sadd.s32 @!p0 $0x88, s6;
	s7 =	simm.s32 @p2 $0x1082  }
0x22: {  	[simem:s7], [sflag:s8] =	dma.local @!p0 [hbm:s6], $0xF7A  }
0x23: {  	s9 =	sor.u32 $0xD0000000, s2;
	s6 =	simm.s32 $0x108;
	_ =	swait.ge @!p0 [sflag:s8], $0x0  }
0x24: {  	s3 =	sadd.s32 $0x88, s3;
	s6 =	simm.s32 @!p1 $0x1082;
	[sflag:s4] =	ssyncset.s32 $0xFFFFF086  }
0x25: {  	[simem:s6], [sflag:s4] =	dma.local [hbm:s3], $0xF7A  }
0x26: {  	[smem:$0x3F9B] =	sst s1;
	(tag) =	ssettag s2;
	_ =	strace s9  }
0x27: {  	s1 =	sld [smem:$0x3FAB]  }
0x28: {  	s2 =	sld [smem:$0x3FAC]  }
0x29: {  	s4 =	sld [smem:$0x3FAE]  }
0x2a: {  	p0 =	seq.s32 s5, $0x0;
	s5 =	sld [smem:$0x3FAF]  }
0x2b: {  	s6 =	sld [smem:$0x3FB0]  }
0x2c: {  	s7 =	sld [smem:$0x3FB1]  }
0x2d: {  	s3 =	simm.s32 $0x108;
	s8 =	sld [smem:$0x3FB2]  }
0x2e: {  	s3 =	simm.s32 @!p0 $0x1082;
	s9 =	sld [smem:$0x3FB3]  }
0x2f: {  	lr =	sadd.s32 s0, s3;
	s0 =	sld [smem:$0x3FAA]  }
0x30: {  	s3 =	sld [smem:$0x3FAD]  }
0x31: {  	[smem:$0x3FB6] =	sst s10  }
0x32: {  	s10 =	sld [smem:$0x3FB4];
	_ =	sdelay $0x3  }
0x33: {  	p0 =	seq.s32 s10, $0x1;
	s10 =	sld [smem:$0x3FB6];
	_ =	sdelay $0x3  }
0x34: {  	[smem:$0x3FB6] =	sst s10  }
0x35: {  	s10 =	sld [smem:$0x3FB5];
	_ =	sdelay $0x3  }
0x36: {  	p1 =	seq.s32 s10, $0x1;
	s10 =	sld [smem:$0x3FB6];
	_ =	sdelay $0x3  }
0x37: {  	[smem:$0x3FB6] =	sst s10  }
0x38: {  	s10 =	sld [smem:$0x3FB7]  }
0x39: {  	_ = 	snop;
	(pc) =	sbr.ind lr, $3  }
0x3a: {  	_ = 	snop  }
0x3b: {  	_ = 	snop  }
0x3c: {  	p2 =	seq.s32 s10, $0x1;
	s10 =	sld [smem:$0x3FB6]  }
0x3d: {  	_ =	shalt  }
0x3e: {  	_ =	shalt  }
0x3f: {  	_ =	shalt  }
0x40: {  	_ =	shalt  }
0x41: {  	_ =	shalt  }
0x42: {  	_ =	shalt  }
0x43: {  	_ =	shalt  }
0x44: {  	_ =	shalt  }
0x45: {  	_ =	shalt  }
0x46: {  	_ =	shalt  }
0x47: {  	_ =	shalt  }
0x48: {  	_ =	shalt  }
0x49: {  	_ =	shalt  }
0x4a: {  	_ =	shalt  }
0x4b: {  	_ =	shalt  }
0x4c: {  	_ =	shalt  }
0x4d: {  	_ =	shalt  }
0x4e: {  	_ =	shalt  }
0x4f: {  	_ =	shalt  }
0x50: {  	_ =	shalt  }
0x51: {  	_ =	shalt  }
0x52: {  	_ =	shalt  }
0x53: {  	_ =	shalt  }
0x54: {  	_ =	shalt  }
0x55: {  	_ =	shalt  }
0x56: {  	_ =	shalt  }
0x57: {  	_ =	shalt  }
0x58: {  	_ =	shalt  }
0x59: {  	_ =	shalt  }
0x5a: {  	_ =	shalt  }
0x5b: {  	_ =	shalt  }
0x5c: {  	_ =	shalt  }
0x5d: {  	_ =	shalt  }
0x5e: {  	_ =	shalt  }
0x5f: {  	_ =	shalt  }
0x60: {  	_ =	shalt  }
0x61: {  	_ =	shalt  }
0x62: {  	_ =	shalt  }
0x63: {  	_ =	shalt  }
0x64: {  	_ =	shalt  }
0x65: {  	_ =	shalt  }
0x66: {  	_ =	shalt  }
0x67: {  	_ =	shalt  }
0x68: {  	_ =	shalt  }
0x69: {  	_ =	shalt  }
0x6a: {  	_ =	shalt  }
0x6b: {  	_ =	shalt  }
0x6c: {  	_ =	shalt  }
0x6d: {  	_ =	shalt  }
0x6e: {  	_ =	shalt  }
0x6f: {  	_ =	shalt  }
0x70: {  	_ =	shalt  }
0x71: {  	_ =	shalt  }
0x72: {  	_ =	shalt  }
0x73: {  	_ =	shalt  }
0x74: {  	_ =	shalt  }
0x75: {  	_ =	shalt  }
0x76: {  	_ =	shalt  }
0x77: {  	_ =	shalt  }
0x78: {  	_ =	shalt  }
0x79: {  	_ =	shalt  }
0x7a: {  	_ =	shalt  }
0x7b: {  	_ =	shalt  }
0x7c: {  	_ =	shalt  }
0x7d: {  	_ =	shalt  }
0x7e: {  	_ =	shalt  }
0x7f: {  	_ =	shalt  }
0x80: {  	_ =	shalt  }
0x81: {  	_ =	shalt  }
0x82: {  	_ =	shalt  }
0x83: {  	_ =	shalt  }
0x84: {  	_ =	shalt  }
0x85: {  	_ =	shalt  }
0x86: {  	_ =	shalt  }
0x87: {  	_ =	shalt  }
.Lfunc_end0:
.L_simem_size_0:
called_computation_lowered:
.L_overlay_start_0:
0x88: {  	s2 =	sld [smem:$0x3FD9]  }
0x89: {  	s3 =	sld [smem:$0x3FFE];
	_ =	sdelay $0x1  }
0x8a: {  	s1 =	srdreg.scid  }
0x8b: {  	s0 =	sand.u32 $0x1, s1  }
0x8c: {  	s14 =	sshll.u32 s0, $0xA;
	s2 =	sadd.s32 s3, s2  }
0x8d: {  	s2 =	sadd.s32 s2, s14  }
0x8e: {  	[smem:$0x3FC2] =	sst s2  }
0x8f: {  	_ = 	snop  }
0x90: {  	s2 =	sld [smem:$0x3FD0];
	_ =	sdelay $0x2  }
0x91: {  	s15 =	simm.s32 $0xA;
	s4 =	simm.s32 $0x10  }
0x92: {  	[smem:s4], [sflag:s15] =	dma.local [hbm:s2], $0x1  }
0x93: {  	_ =	swait.eq [sflag:s15], $0x1  }
0x94: {  	[sflag:s15] =	ssyncset.done $0x0  }
0x95: {  	s16 =	sld [smem:$0x10];
	[sflag:s15] =	ssyncadd.s32 $0xFFFFFFFF  }
0x96: {  	s17 =	sld [smem:$0x11];
	(tm) =	ssettm $0x1  }
0x97: {  	s18 =	sld [smem:$0x3FFB];
	_ =	sdelay $0x3  }
0x98: {  	_ =	strace s18  }
0x99: {  	s4 =	sld [smem:$0x3FFC];
	_ =	sdelay $0x3  }
0x9a: {  	_ =	strace s4  }
0x9b: {  	s4 =	sld [smem:$0x3FFD];
	_ =	sdelay $0x3  }
0x9c: {  	_ =	strace s4  }
0x9d: {  	_ =	strace $0x8FFFFFFF  }
0x9e: {  	s19 =	sld [smem:$0x3FDB];
	_ =	sdelay $0x1  }
0x9f: {  	s5 =	simm.s32 $_scs_section_size  }
0xa0: {  	s6 =	simm.s32 $_size__tile_overlayer_lowered;
	s7 =	simm.s32 $_tile_overlayer_lowered  }
0xa1: {  	s22 =	simm.s32 $0x1BFF;
	s21 =	sshll.u32 s7, $0x1;
	s4 =	sadd.s32 s5, s19  }
0xa2: {  	s8 =	simm.s32 $0x0;
	s20 =	sshll.u32 s6, $0x1;
	s6 =	sadd.s32 s21, s4  }
0xa3: {  	[timem:s8], [sflag:s22] =	dma.local [hbm:s6], s20  }
0xa4: {  	_ =	swait.ge [sflag:s22], s20  }
0xa5: {  	s5 =	ssub.s32 $0x0, s20;
	[sflag:s22] =	ssyncset.done $0x0  }
0xa6: {  	[sflag:s22] =	ssyncadd.s32 s5;
	_ =	sdelay $0x1  }
0xa7: {  	s23 =	simm.s32 $0x1B8B  }
0xa8: {  	_ =	swait.ge [sflag:s23], $0x1  }
0xa9: {  	[sflag:s23] =	ssyncset.done $0x0  }
0xaa: {  	s25 =	simm.s32 $0x1B8E;
	s24 =	sld [smem:$0x3FFE];
	[sflag:s23] =	ssyncadd.s32 $0xFFFFFFFF  }
0xab: {  	s26 =	simm.s32 $execute0_lowered;
	[smem:$0x3FD2] =	sst s25  }
0xac: {  	s6 =	sshll.u32 s26, $0x1;
	_ =	strace $0x80000046;
	[dreg:$0x1] =	wrdreg $0xFFFFFFFF  }
0xad: {  	s28 =	simm.s32 $_size_execute0_lowered;
	s4 =	sadd.s32 s4, s6;
	[dreg:$0x0] =	wrdreg $0x0  }
0xae: {  	s6 =	sshll.u32 s28, $0x1;
	[dreg:$0x2] =	wrdreg s4  }
0xaf: {  	[dreg:$0x3] =	wrdreg s6  }
0xb0: {  	[dreg:$0x4] =	wrdreg $0xC0  }
0xb1: {  	_ =	task [dreg:s8], $0x5FFFF  }
0xb2: {  	[dreg:$0x1] =	wrdreg $0xFFFFFFFF  }
0xb3: {  	[dreg:$0x0] =	wrdreg $0x60  }
0xb4: {  	[dreg:$0x2] =	wrdreg s24  }
0xb5: {  	[dreg:$0x3] =	wrdreg s16  }
0xb6: {  	[dreg:$0x4] =	wrdreg s17  }
0xb7: {  	[dreg:$0x5] =	wrdreg $0x14800  }
0xb8: {  	[dreg:$0x6] =	wrdreg $0x9  }
0xb9: {  	_ =	task.clear_ibuf [dreg:s8], $0x7FFFF;
	_ =	strace $0x90000046  }
0xba: {  	s29 =	simm.s32 $0x9;
	_ =	strace $0x80000048  }
0xbb: {  	_ =	swait.ge [sflag:s29], $0x1  }
0xbc: {  	[sflag:s29] =	ssyncadd.s32 $0xFFFFFFFF  }
0xbd: {  	_ =	strace $0x90000048  }
0xbe: {  	_ =	sfence  }
0xbf: {  	s30 =	sld [smem:$0x0];
	_ =	sdelay $0x2  }
0xc0: {  	s31 =	sshll.u32 s1, $0xD;
	s1 =	sshrl.u32 s1, $0x2  }
0xc1: {  	s3 =	sand.u32 $0x4000, s31;
	s1 =	sadd.s32 s1, s30  }
0xc2: {  	s0 =	sor.u32 s3, s0;
	s1 =	sshll.u32 s1, $0x11  }
0xc3: {  	s0 =	sor.u32 s1, s0  }
0xc4: {  	s0 =	sadd.s32 $0x8F2B, s0  }
0xc5: {  	[sflag:s0] =	ssyncadd.remote.s32 $0x1  }
0xc6: {  	_ =	sfence.sel $0xFFFF  }
0xc7: {  	[dreg:$0x0] =	wrdreg $0xFFFFFFFF;
	(pc) =	sbr.abs _section_cstart, $3  }
0xc8: {  	[dreg:$0x1] =	wrdreg $0xFFFFFFFF  }
0xc9: {  	_ =	task.clear_ibuf [dreg:s8], $0x2FFFF;
	_ =	strace $0x9FFFFFFF  }
0xca: {  	(tm) =	ssettm $0x7FFFFFFF  }
0xcb: {  	_ =	shalt  }
tec
execute0_lowered:
.L_overlay_start_1:
0x0: {  	(tag) =	ssettag $0x1  }
0x1: {  	s0 =	rddreg [dreg:$0x0]  }
0x2: {  	s1 =	rddreg [dreg:$0x1]  }
0x3: {  	s2 =	srdreg.scid;
	s11 =	stileid.u32  }
0x4: {  	s6 =	rddreg [dreg:$0x2];
	s12 =	simm.s32 $0x1400;
	s14 =	simm.s32 $0xB80  }
0x5: {  	s15 =	simm.s32 $0xC00;
	s16 =	simm.s32 $0xC80;
	s17 =	simm.s32 $0xD00  }
0x6: {  	s18 =	simm.s32 $0xD80;
	s19 =	simm.s32 $0xE00;
	s20 =	simm.s32 $0xE80  }
0x7: {  	s21 =	simm.s32 $0xF00;
	s28 =	simm.s32 $0x1200;
	s29 =	simm.s32 $0x1280  }
0x8: {  	s30 =	simm.s32 $0x1300;
	s31 =	simm.s32 $0x1380;
	s4 =	sand.u32 $0x1, s2  }
0x9: {  	s3 =	sshll.u32 s11, $0x1;
	s2 =	rddreg [dreg:$0x3];
	s8 =	smul.u32 $0x280, s11  }
0xa: {  	s26 =	sshll.u32 s11, $0x6;
	s3 =	sor.u32 s4, s3;
	s10 =	smul.u32 $0x2800, s4  }
0xb: {  	s11 =	simm.s32 $0x80;
	s7 =	ssub.s32 $0x2, s4;
	s5 =	smul.u32 $0x280, s3  }
0xc: {  	s3 =	simm.s32 $0x0;
	s9 =	sshrl.u32 s7, $0x1;
	s22 =	sshrl.u32 s8, $0x3  }
0xd: {  	s24 =	sadd.s32 s8, s2;
	[smem:$0x7FF] =	sst s3;
	s7 =	ssub.s32 s7, s9  }
0xe: {  	s23 =	sadd.s32 s8, s10;
	s8 =	simm.s32 $0x2;
	s9 =	sor.u32 $0x1C02, s26  }
0xf: {  	s10 =	sshrl.u32 s24, $0x3;
	s24 =	simm.s32 $0x1080;
	s26 =	simm.s32 $0x1180  }
0x10: {  	_ =	strace $0x80000047;
	s0 =	sadd.s32 s5, s0;
	s5 =	sadd.s32 s1, s22  }
0x11: {  	s25 =	sshrl.u32 s23, $0x3;
	s7 =	smax.u32 s7, $0x1;
	s22 =	simm.s32 $0xF80  }
0x12: {  	s23 =	simm.s32 $0x1000;
	s1 =	simm.s32 $0x1;
	s4 =	sadd.s32 $0x2200, s0  }
0x13: {  	v0 =	vimm.f32 $1.000000000e+00;
	s6 =	sadd.s32 s6, s25;
	s25 =	simm.s32 $0x1100;
	s0 =	simm.s32 $0x0  }
.LBB2_1:
0x14: {  	[tilespmem:$0x1400] =	vst v0  }
0x15: {  	[tilespmem:$0x1410] =	vst v0  }
0x16: {  	[tilespmem:$0x1420] =	vst v0  }
0x17: {  	[tilespmem:$0x1430] =	vst v0  }
0x18: {  	[tilespmem:$0x1440] =	vst v0  }
0x19: {  	[tilespmem:$0x1450] =	vst v0  }
0x1a: {  	[tilespmem:$0x1460] =	vst v0  }
0x1b: {  	[tilespmem:$0x1470] =	vst v0  }
0x1c: {  	[tilespmem:s3], [sflag:$0x2] =	stream.linear.gather [hbm4b:s4+s3], $0x1400, $0x38;
	[tilespmem:$0x1700] =	vst v63  }
0x1d: {  	_ =	swait.ge [sflag:s8], $0x1400  }
0x1e: {  	[sflag:s8] =	ssyncset.done $0x0  }
0x1f: {  	[sflag:s8] =	ssyncadd.s32 $0xFFFFEC00  }
0x20: {  	[spmem:s10], [sflag:s9] =	dma.local [hbm:s5], $0x50  }
0x21: {  	_ =	swait.ge [sflag:s8], $0x50  }
0x22: {  	[sflag:s8] =	ssyncset.done $0x0  }
0x23: {  	[sflag:s8] =	ssyncadd.s32 $0xFFFFFFB0  }
0x24: {  	[bflag:$0x0] =	sbarrier.arrive $0xFFFF  }
0x25: {  	[spmem:s2] =	stream.indirect.scatter.add.f32 [tilespmem:s12], [sflag:$0x1], $0x1, s3, s11, $0xb8;
	[tilespmem:$0x1700] =	vst v63  }
0x26: {  	_ = 	snop  }
0x27: {  	[spmem:s2] =	stream.indirect.scatter.add.f32 [tilespmem:s12], [sflag:$0x1], $0x1, s11, s11, $0xb8;
	[tilespmem:$0x1700] =	vst v63  }
0x28: {  	s13 =	simm.s32 $0x100  }
0x29: {  	[spmem:s2] =	stream.indirect.scatter.add.f32 [tilespmem:s12], [sflag:$0x1], $0x1, s13, s11, $0xb8;
	[tilespmem:$0x1700] =	vst v63  }
0x2a: {  	s13 =	simm.s32 $0x180  }
0x2b: {  	[spmem:s2] =	stream.indirect.scatter.add.f32 [tilespmem:s12], [sflag:$0x1], $0x1, s13, s11, $0xb8;
	[tilespmem:$0x1700] =	vst v63  }
0x2c: {  	s13 =	simm.s32 $0x200  }
0x2d: {  	[spmem:s2] =	stream.indirect.scatter.add.f32 [tilespmem:s12], [sflag:$0x1], $0x1, s13, s11, $0xb8;
	[tilespmem:$0x1700] =	vst v63  }
0x2e: {  	s13 =	simm.s32 $0x280  }
0x2f: {  	[spmem:s2] =	stream.indirect.scatter.add.f32 [tilespmem:s12], [sflag:$0x1], $0x1, s13, s11, $0xb8;
	[tilespmem:$0x1700] =	vst v63  }
0x30: {  	s13 =	simm.s32 $0x300  }
0x31: {  	[spmem:s2] =	stream.indirect.scatter.add.f32 [tilespmem:s12], [sflag:$0x1], $0x1, s13, s11, $0xb8;
	[tilespmem:$0x1700] =	vst v63  }
0x32: {  	s13 =	simm.s32 $0x380  }
0x33: {  	[spmem:s2] =	stream.indirect.scatter.add.f32 [tilespmem:s12], [sflag:$0x1], $0x1, s13, s11, $0xb8;
	[tilespmem:$0x1700] =	vst v63  }
0x34: {  	s13 =	simm.s32 $0x400  }
0x35: {  	[spmem:s2] =	stream.indirect.scatter.add.f32 [tilespmem:s12], [sflag:$0x1], $0x1, s13, s11, $0xb8;
	[tilespmem:$0x1700] =	vst v63  }
0x36: {  	s13 =	simm.s32 $0x480  }
0x37: {  	[spmem:s2] =	stream.indirect.scatter.add.f32 [tilespmem:s12], [sflag:$0x1], $0x1, s13, s11, $0xb8;
	[tilespmem:$0x1700] =	vst v63  }
0x38: {  	s13 =	simm.s32 $0x500  }
0x39: {  	[spmem:s2] =	stream.indirect.scatter.add.f32 [tilespmem:s12], [sflag:$0x1], $0x1, s13, s11, $0xb8;
	[tilespmem:$0x1700] =	vst v63  }
0x3a: {  	s13 =	simm.s32 $0x580  }
0x3b: {  	[spmem:s2] =	stream.indirect.scatter.add.f32 [tilespmem:s12], [sflag:$0x1], $0x1, s13, s11, $0xb8;
	[tilespmem:$0x1700] =	vst v63  }
0x3c: {  	s13 =	simm.s32 $0x600  }
0x3d: {  	[spmem:s2] =	stream.indirect.scatter.add.f32 [tilespmem:s12], [sflag:$0x1], $0x1, s13, s11, $0xb8;
	[tilespmem:$0x1700] =	vst v63  }
0x3e: {  	s13 =	simm.s32 $0x680  }
0x3f: {  	[spmem:s2] =	stream.indirect.scatter.add.f32 [tilespmem:s12], [sflag:$0x1], $0x1, s13, s11, $0xb8;
	[tilespmem:$0x1700] =	vst v63  }
0x40: {  	s13 =	simm.s32 $0x700  }
0x41: {  	[spmem:s2] =	stream.indirect.scatter.add.f32 [tilespmem:s12], [sflag:$0x1], $0x1, s13, s11, $0xb8;
	[tilespmem:$0x1700] =	vst v63  }
0x42: {  	s13 =	simm.s32 $0x780  }
0x43: {  	[spmem:s2] =	stream.indirect.scatter.add.f32 [tilespmem:s12], [sflag:$0x1], $0x1, s13, s11, $0xb8;
	[tilespmem:$0x1700] =	vst v63  }
0x44: {  	s13 =	simm.s32 $0x800  }
0x45: {  	[spmem:s2] =	stream.indirect.scatter.add.f32 [tilespmem:s12], [sflag:$0x1], $0x1, s13, s11, $0xb8;
	[tilespmem:$0x1700] =	vst v63  }
0x46: {  	s13 =	simm.s32 $0x880  }
0x47: {  	[spmem:s2] =	stream.indirect.scatter.add.f32 [tilespmem:s12], [sflag:$0x1], $0x1, s13, s11, $0xb8;
	[tilespmem:$0x1700] =	vst v63  }
0x48: {  	s13 =	simm.s32 $0x900  }
0x49: {  	[spmem:s2] =	stream.indirect.scatter.add.f32 [tilespmem:s12], [sflag:$0x1], $0x1, s13, s11, $0xb8;
	[tilespmem:$0x1700] =	vst v63  }
0x4a: {  	s13 =	simm.s32 $0x980  }
0x4b: {  	[spmem:s2] =	stream.indirect.scatter.add.f32 [tilespmem:s12], [sflag:$0x1], $0x1, s13, s11, $0xb8;
	[tilespmem:$0x1700] =	vst v63  }
0x4c: {  	s13 =	simm.s32 $0xA00  }
0x4d: {  	[spmem:s2] =	stream.indirect.scatter.add.f32 [tilespmem:s12], [sflag:$0x1], $0x1, s13, s11, $0xb8;
	[tilespmem:$0x1700] =	vst v63  }
0x4e: {  	s13 =	simm.s32 $0xA80  }
0x4f: {  	[spmem:s2] =	stream.indirect.scatter.add.f32 [tilespmem:s12], [sflag:$0x1], $0x1, s13, s11, $0xb8;
	[tilespmem:$0x1700] =	vst v63  }
0x50: {  	s13 =	simm.s32 $0xB00  }
0x51: {  	[spmem:s2] =	stream.indirect.scatter.add.f32 [tilespmem:s12], [sflag:$0x1], $0x1, s13, s11, $0xb8;
	[tilespmem:$0x1700] =	vst v63  }
0x52: {  	_ = 	snop  }
0x53: {  	[spmem:s2] =	stream.indirect.scatter.add.f32 [tilespmem:s12], [sflag:$0x1], $0x1, s14, s11, $0xb8;
	[tilespmem:$0x1700] =	vst v63  }
0x54: {  	_ = 	snop  }
0x55: {  	[spmem:s2] =	stream.indirect.scatter.add.f32 [tilespmem:s12], [sflag:$0x1], $0x1, s15, s11, $0xb8;
	[tilespmem:$0x1700] =	vst v63  }
0x56: {  	_ = 	snop  }
0x57: {  	[spmem:s2] =	stream.indirect.scatter.add.f32 [tilespmem:s12], [sflag:$0x1], $0x1, s16, s11, $0xb8;
	[tilespmem:$0x1700] =	vst v63  }
0x58: {  	_ = 	snop  }
0x59: {  	[spmem:s2] =	stream.indirect.scatter.add.f32 [tilespmem:s12], [sflag:$0x1], $0x1, s17, s11, $0xb8;
	[tilespmem:$0x1700] =	vst v63  }
0x5a: {  	_ = 	snop  }
0x5b: {  	[spmem:s2] =	stream.indirect.scatter.add.f32 [tilespmem:s12], [sflag:$0x1], $0x1, s18, s11, $0xb8;
	[tilespmem:$0x1700] =	vst v63  }
0x5c: {  	_ = 	snop  }
0x5d: {  	[spmem:s2] =	stream.indirect.scatter.add.f32 [tilespmem:s12], [sflag:$0x1], $0x1, s19, s11, $0xb8;
	[tilespmem:$0x1700] =	vst v63  }
0x5e: {  	_ = 	snop  }
0x5f: {  	[spmem:s2] =	stream.indirect.scatter.add.f32 [tilespmem:s12], [sflag:$0x1], $0x1, s20, s11, $0xb8;
	[tilespmem:$0x1700] =	vst v63  }
0x60: {  	_ = 	snop  }
0x61: {  	[spmem:s2] =	stream.indirect.scatter.add.f32 [tilespmem:s12], [sflag:$0x1], $0x1, s21, s11, $0xb8;
	[tilespmem:$0x1700] =	vst v63  }
0x62: {  	_ = 	snop  }
0x63: {  	[spmem:s2] =	stream.indirect.scatter.add.f32 [tilespmem:s12], [sflag:$0x1], $0x1, s22, s11, $0xb8;
	[tilespmem:$0x1700] =	vst v63  }
0x64: {  	_ = 	snop  }
0x65: {  	[spmem:s2] =	stream.indirect.scatter.add.f32 [tilespmem:s12], [sflag:$0x1], $0x1, s23, s11, $0xb8;
	[tilespmem:$0x1700] =	vst v63  }
0x66: {  	_ = 	snop  }
0x67: {  	[spmem:s2] =	stream.indirect.scatter.add.f32 [tilespmem:s12], [sflag:$0x1], $0x1, s24, s11, $0xb8;
	[tilespmem:$0x1700] =	vst v63  }
0x68: {  	_ = 	snop  }
0x69: {  	[spmem:s2] =	stream.indirect.scatter.add.f32 [tilespmem:s12], [sflag:$0x1], $0x1, s25, s11, $0xb8;
	[tilespmem:$0x1700] =	vst v63  }
0x6a: {  	_ = 	snop  }
0x6b: {  	[spmem:s2] =	stream.indirect.scatter.add.f32 [tilespmem:s12], [sflag:$0x1], $0x1, s26, s11, $0xb8;
	[tilespmem:$0x1700] =	vst v63  }
0x6c: {  	_ = 	snop  }
0x6d: {  	[spmem:s2] =	stream.indirect.scatter.add.f32 [tilespmem:s12], [sflag:$0x1], $0x1, s28, s11, $0xb8;
	[tilespmem:$0x1700] =	vst v63  }
0x6e: {  	_ = 	snop  }
0x6f: {  	[spmem:s2] =	stream.indirect.scatter.add.f32 [tilespmem:s12], [sflag:$0x1], $0x1, s29, s11, $0xb8;
	[tilespmem:$0x1700] =	vst v63  }
0x70: {  	_ = 	snop  }
0x71: {  	[spmem:s2] =	stream.indirect.scatter.add.f32 [tilespmem:s12], [sflag:$0x1], $0x1, s30, s11, $0xb8;
	[tilespmem:$0x1700] =	vst v63  }
0x72: {  	_ = 	snop  }
0x73: {  	[spmem:s2] =	stream.indirect.scatter.add.f32 [tilespmem:s12], [sflag:$0x1], $0x1, s31, s11, $0xb8;
	[tilespmem:$0x1700] =	vst v63  }
0x74: {  	_ =	swait.ge [sflag:s1], $0x80  }
0x75: {  	s13 =	simm.s32 $0x27;
	[sflag:s1] =	ssyncset.done $0x0  }
.LBB2_2:
0x76: {  	p0 =	sne.s32 s13, $0x1;
	s13 =	sadd.s32 $0xFFFFFFFF, s13;
	[sflag:s1] =	ssyncadd.s32 $0xFFFFFF80  }
.Ltmp0:
0x77: {  	(pc) =	sbr.rel @p0 .LBB2_2-.Ltmp0, $3  }
0x78: {  	_ =	sdelay $0x1  }
0x79: {  	_ =	swait.ge [sflag:s1], $0x80  }
0x7a: {  	[sflag:s1] =	ssyncset.done $0x0  }
0x7b: {  	s0 =	sadd.s32 $0x1, s0  }
0x7c: {  	[sflag:s1] =	ssyncadd.s32 $0xFFFFFF80;
	p0 =	sne.s32 s0, s7  }
.Ltmp1:
0x7d: {  	[bflag:$0x0] =	sbarrier.arrive $0xFFFF;
	(pc) =	sbr.rel @p0 .LBB2_1-.Ltmp1, $4  }
0x7e: {  	[hbm:s6], [sflag:s9] =	dma.local [spmem:s10], $0x50  }
0x7f: {  	_ =	swait.ge [sflag:s8], $0x50  }
0x80: {  	[sflag:s8] =	ssyncset.done $0x0  }
0x81: {  	[sflag:s8] =	ssyncadd.s32 $0xFFFFFFB0  }
0x82: {  	_ =	sfence.sel $0x180000  }
0x83: {  	[bflag:$0x0] =	sbarrier.arrive $0xFFFF  }
0x84: {  	_ =	strace $0x90000047  }
0x85: {  	s0 =	stileid.u32;
	[bflag:$0x2] =	sbarrier.arrive $0xFFFF  }
0x86: {  	p0 =	sne.s32 s0, $0x0;
	s0 =	rddreg [dreg:$0x4]  }
0x87: {  	s0 =	sadd.s32 @!p0 $0x100000, s0  }
0x88: {  	[sflag:s0] =	ssyncadd.tile.s32 @!p0 $0x1;
	_ =	shalt  }
.Lfunc_end2:
_tile_overlayer_lowered:
.L_overlay_start_2:
0x89: {  	(tag) =	ssettag $0x2  }
0x8a: {  	s0 =	rddreg [dreg:$0x0];
	s2 =	stileid.u32  }
0x8b: {  	s1 =	rddreg [dreg:$0x1];
	p0 =	sne.s32 s2, $0x0  }
0x8c: {  	s3 =	rddreg [dreg:$0x2];
	[bflag:$0x3] =	sbarrier.arrive $0xFFFF;
	s2 =	simm.s32 @!p0 $0x1C02  }
0x8d: {  	[timem:s3], [sflag:s2] =	dma.local @!p0 [hbm:s0], s1  }
0x8e: {  	s0 =	simm.s32 @!p0 $0x2  }
0x8f: {  	_ =	swait.ge @!p0 [sflag:s0], s1  }
0x90: {  	s1 =	ssub.s32 @!p0 $0x0, s1;
	[sflag:s0] =	ssyncset.done @!p0 $0x0  }
0x91: {  	[sflag:s0] =	ssyncadd.s32 @!p0 s1  }
0x92: {  	[bflag:$0x3] =	sbarrier.arrive $0xFFFF  }
0x93: {  	_ =	shalt  }

// kernel: kernel.13.cloned.1.call-start
scs
__scs_entry_jumppad:
0x0: {  	(pc) =	sbr.rel $0x88, $3  }
0x1: {  	(tag) =	ssettag $0x0;
	lr =	simm.s32 $0x1  }
0x2: {  	[smem:$0x3F9B] =	sst lr;
	_ =	strace $0xD0000000  }
0x3: {  	_ = 	snop  }
0x4: {  	_ = 	snop  }
0x5: {  	_ = 	snop  }
0x6: {  	_ = 	snop  }
0x7: {  	_ = 	snop  }
__scs_overlays_trampoline_lowered:
0x8: {  	[smem:$0x3FAA] =	sst s0  }
0x9: {  	[smem:$0x3FAB] =	sst s1  }
0xa: {  	[smem:$0x3FAC] =	sst s2  }
0xb: {  	[smem:$0x3FAD] =	sst s3  }
0xc: {  	[smem:$0x3FAE] =	sst s4  }
0xd: {  	[smem:$0x3FAF] =	sst s5  }
0xe: {  	[smem:$0x3FB0] =	sst s6  }
0xf: {  	[smem:$0x3FB1] =	sst s7  }
0x10: {  	[smem:$0x3FB2] =	sst s8  }
0x11: {  	[smem:$0x3FB3] =	sst s9;
	s0 =	simm.s32 @!p0 $0x0  }
0x12: {  	s1 =	sld [smem:$0x3F99];
	s0 =	simm.s32 @p0 $0x1  }
0x13: {  	[smem:$0x3FB4] =	sst s0;
	s0 =	simm.s32 @!p1 $0x0  }
0x14: {  	s2 =	sld [smem:$0x3F98];
	s0 =	simm.s32 @p1 $0x1  }
0x15: {  	[smem:$0x3FB5] =	sst s0;
	s0 =	simm.s32 @!p2 $0x0  }
0x16: {  	s3 =	sld [smem:$0x3FDB];
	s0 =	simm.s32 @p2 $0x1  }
0x17: {  	s4 =	simm.s32 $0x1BF5;
	[smem:$0x3FB7] =	sst s0  }
0x18: {  	s0 =	sld [smem:$0x3F9A];
	_ =	swait.ge [sflag:s4], $0x0  }
0x19: {  	s7 =	sld [smem:$0x3F9B]  }
0x1a: {  	s8 =	sadd.s32 $0xFFFFE003, lr  }
0x1b: {  	s9 =	sadd.s32 $0xFFFFFEF7, lr;
	s5 =	simm.s32 $0xFFFFFFFF;
	p2 =	slt.u32 s8, $0xFFFFF086  }
0x1c: {  	p1 =	slt.u32 s9, $0xF7A;
	s5 =	simm.s32 @!p2 $0x0  }
0x1d: {  	s5 =	simm.s32 @p1 $0x1;
	p0 =	seq.s32 s7, s2  }
0x1e: {  	s7 =	smul.u32 @!p0 $0xF7A, s2;
	p2 =	seq.s32 @!p0 s5, $0x0  }
0x1f: {  	s9 =	smul.u32 $0xF7A, s1;
	s8 =	simm.s32 @!p0 $0x1BF5;
	p2 =	por !p2, p0  }
0x20: {  	[sflag:s8] =	ssyncset.s32 @!p0 $0xFFFFF086;
	s6 =	sadd.s32 @!p0 s3, s7;
	s7 =	simm.s32 @!p0 $0x108  }
0x21: {  	s3 =	sadd.s32 s3, s9;
	s6 =	sadd.s32 @!p0 $0x88, s6;
	s7 =	simm.s32 @p2 $0x1082  }
0x22: {  	[simem:s7], [sflag:s8] =	dma.local @!p0 [hbm:s6], $0xF7A  }
0x23: {  	s9 =	sor.u32 $0xD0000000, s2;
	s6 =	simm.s32 $0x108;
	_ =	swait.ge @!p0 [sflag:s8], $0x0  }
0x24: {  	s3 =	sadd.s32 $0x88, s3;
	s6 =	simm.s32 @!p1 $0x1082;
	[sflag:s4] =	ssyncset.s32 $0xFFFFF086  }
0x25: {  	[simem:s6], [sflag:s4] =	dma.local [hbm:s3], $0xF7A  }
0x26: {  	[smem:$0x3F9B] =	sst s1;
	(tag) =	ssettag s2;
	_ =	strace s9  }
0x27: {  	s1 =	sld [smem:$0x3FAB]  }
0x28: {  	s2 =	sld [smem:$0x3FAC]  }
0x29: {  	s4 =	sld [smem:$0x3FAE]  }
0x2a: {  	p0 =	seq.s32 s5, $0x0;
	s5 =	sld [smem:$0x3FAF]  }
0x2b: {  	s6 =	sld [smem:$0x3FB0]  }
0x2c: {  	s7 =	sld [smem:$0x3FB1]  }
0x2d: {  	s3 =	simm.s32 $0x108;
	s8 =	sld [smem:$0x3FB2]  }
0x2e: {  	s3 =	simm.s32 @!p0 $0x1082;
	s9 =	sld [smem:$0x3FB3]  }
0x2f: {  	lr =	sadd.s32 s0, s3;
	s0 =	sld [smem:$0x3FAA]  }
0x30: {  	s3 =	sld [smem:$0x3FAD]  }
0x31: {  	[smem:$0x3FB6] =	sst s10  }
0x32: {  	s10 =	sld [smem:$0x3FB4];
	_ =	sdelay $0x3  }
0x33: {  	p0 =	seq.s32 s10, $0x1;
	s10 =	sld [smem:$0x3FB6];
	_ =	sdelay $0x3  }
0x34: {  	[smem:$0x3FB6] =	sst s10  }
0x35: {  	s10 =	sld [smem:$0x3FB5];
	_ =	sdelay $0x3  }
0x36: {  	p1 =	seq.s32 s10, $0x1;
	s10 =	sld [smem:$0x3FB6];
	_ =	sdelay $0x3  }
0x37: {  	[smem:$0x3FB6] =	sst s10  }
0x38: {  	s10 =	sld [smem:$0x3FB7]  }
0x39: {  	_ = 	snop;
	(pc) =	sbr.ind lr, $3  }
0x3a: {  	_ = 	snop  }
0x3b: {  	_ = 	snop  }
0x3c: {  	p2 =	seq.s32 s10, $0x1;
	s10 =	sld [smem:$0x3FB6]  }
0x3d: {  	_ =	shalt  }
0x3e: {  	_ =	shalt  }
0x3f: {  	_ =	shalt  }
0x40: {  	_ =	shalt  }
0x41: {  	_ =	shalt  }
0x42: {  	_ =	shalt  }
0x43: {  	_ =	shalt  }
0x44: {  	_ =	shalt  }
0x45: {  	_ =	shalt  }
0x46: {  	_ =	shalt  }
0x47: {  	_ =	shalt  }
0x48: {  	_ =	shalt  }
0x49: {  	_ =	shalt  }
0x4a: {  	_ =	shalt  }
0x4b: {  	_ =	shalt  }
0x4c: {  	_ =	shalt  }
0x4d: {  	_ =	shalt  }
0x4e: {  	_ =	shalt  }
0x4f: {  	_ =	shalt  }
0x50: {  	_ =	shalt  }
0x51: {  	_ =	shalt  }
0x52: {  	_ =	shalt  }
0x53: {  	_ =	shalt  }
0x54: {  	_ =	shalt  }
0x55: {  	_ =	shalt  }
0x56: {  	_ =	shalt  }
0x57: {  	_ =	shalt  }
0x58: {  	_ =	shalt  }
0x59: {  	_ =	shalt  }
0x5a: {  	_ =	shalt  }
0x5b: {  	_ =	shalt  }
0x5c: {  	_ =	shalt  }
0x5d: {  	_ =	shalt  }
0x5e: {  	_ =	shalt  }
0x5f: {  	_ =	shalt  }
0x60: {  	_ =	shalt  }
0x61: {  	_ =	shalt  }
0x62: {  	_ =	shalt  }
0x63: {  	_ =	shalt  }
0x64: {  	_ =	shalt  }
0x65: {  	_ =	shalt  }
0x66: {  	_ =	shalt  }
0x67: {  	_ =	shalt  }
0x68: {  	_ =	shalt  }
0x69: {  	_ =	shalt  }
0x6a: {  	_ =	shalt  }
0x6b: {  	_ =	shalt  }
0x6c: {  	_ =	shalt  }
0x6d: {  	_ =	shalt  }
0x6e: {  	_ =	shalt  }
0x6f: {  	_ =	shalt  }
0x70: {  	_ =	shalt  }
0x71: {  	_ =	shalt  }
0x72: {  	_ =	shalt  }
0x73: {  	_ =	shalt  }
0x74: {  	_ =	shalt  }
0x75: {  	_ =	shalt  }
0x76: {  	_ =	shalt  }
0x77: {  	_ =	shalt  }
0x78: {  	_ =	shalt  }
0x79: {  	_ =	shalt  }
0x7a: {  	_ =	shalt  }
0x7b: {  	_ =	shalt  }
0x7c: {  	_ =	shalt  }
0x7d: {  	_ =	shalt  }
0x7e: {  	_ =	shalt  }
0x7f: {  	_ =	shalt  }
0x80: {  	_ =	shalt  }
0x81: {  	_ =	shalt  }
0x82: {  	_ =	shalt  }
0x83: {  	_ =	shalt  }
0x84: {  	_ =	shalt  }
0x85: {  	_ =	shalt  }
0x86: {  	_ =	shalt  }
0x87: {  	_ =	shalt  }
.Lfunc_end0:
.L_simem_size_0:
called_computation.1_lowered:
.L_overlay_start_0:
0x88: {  	s2 =	sld [smem:$0x3FD9]  }
0x89: {  	s3 =	sld [smem:$0x3FFE];
	_ =	sdelay $0x1  }
0x8a: {  	s1 =	srdreg.scid  }
0x8b: {  	s0 =	sand.u32 $0x1, s1  }
0x8c: {  	s14 =	sshll.u32 s0, $0xA;
	s2 =	sadd.s32 s3, s2  }
0x8d: {  	s2 =	sadd.s32 s2, s14  }
0x8e: {  	[smem:$0x3FC2] =	sst s2  }
0x8f: {  	_ = 	snop  }
0x90: {  	s2 =	sld [smem:$0x3FD0];
	_ =	sdelay $0x2  }
0x91: {  	s15 =	simm.s32 $0xA;
	s4 =	simm.s32 $0x10  }
0x92: {  	[smem:s4], [sflag:s15] =	dma.local [hbm:s2], $0x1  }
0x93: {  	_ =	swait.eq [sflag:s15], $0x1  }
0x94: {  	[sflag:s15] =	ssyncset.done $0x0  }
0x95: {  	[sflag:s15] =	ssyncadd.s32 $0xFFFFFFFF  }
0x96: {  	s16 =	sld [smem:$0x10];
	(tm) =	ssettm $0x1  }
0x97: {  	s17 =	sld [smem:$0x3FFB];
	_ =	sdelay $0x3  }
0x98: {  	_ =	strace s17  }
0x99: {  	s3 =	sld [smem:$0x3FFC];
	_ =	sdelay $0x3  }
0x9a: {  	_ =	strace s3  }
0x9b: {  	s3 =	sld [smem:$0x3FFD];
	_ =	sdelay $0x3  }
0x9c: {  	_ =	strace s3  }
0x9d: {  	_ =	strace $0x8FFFFFFF  }
0x9e: {  	s18 =	sld [smem:$0x3FDB];
	_ =	sdelay $0x1  }
0x9f: {  	s19 =	simm.s32 $_scs_section_size  }
0xa0: {  	s5 =	simm.s32 $_size__tile_overlayer_lowered;
	s6 =	simm.s32 $_tile_overlayer_lowered  }
0xa1: {  	s22 =	simm.s32 $0x1BFF;
	s21 =	sshll.u32 s6, $0x1;
	s3 =	sadd.s32 s19, s18  }
0xa2: {  	s7 =	simm.s32 $0x0;
	s20 =	sshll.u32 s5, $0x1;
	s5 =	sadd.s32 s21, s3  }
0xa3: {  	[timem:s7], [sflag:s22] =	dma.local [hbm:s5], s20  }
0xa4: {  	_ =	swait.ge [sflag:s22], s20  }
0xa5: {  	s4 =	ssub.s32 $0x0, s20;
	[sflag:s22] =	ssyncset.done $0x0  }
0xa6: {  	[sflag:s22] =	ssyncadd.s32 s4;
	_ =	sdelay $0x1  }
0xa7: {  	s23 =	simm.s32 $0x1B8B  }
0xa8: {  	_ =	swait.ge [sflag:s23], $0x1  }
0xa9: {  	[sflag:s23] =	ssyncset.done $0x0  }
0xaa: {  	s25 =	simm.s32 $0x1B8E;
	s24 =	sld [smem:$0x3FFE];
	[sflag:s23] =	ssyncadd.s32 $0xFFFFFFFF  }
0xab: {  	s26 =	simm.s32 $execute0_lowered;
	[smem:$0x3FD2] =	sst s25  }
0xac: {  	s5 =	sshll.u32 s26, $0x1;
	_ =	strace $0x80000049;
	[dreg:$0x1] =	wrdreg $0xFFFFFFFF  }
0xad: {  	s28 =	simm.s32 $_size_execute0_lowered;
	s3 =	sadd.s32 s3, s5;
	[dreg:$0x0] =	wrdreg $0x0  }
0xae: {  	s5 =	sshll.u32 s28, $0x1;
	[dreg:$0x2] =	wrdreg s3  }
0xaf: {  	[dreg:$0x3] =	wrdreg s5  }
0xb0: {  	[dreg:$0x4] =	wrdreg $0xC0  }
0xb1: {  	_ =	task [dreg:s7], $0x5FFFF  }
0xb2: {  	[dreg:$0x1] =	wrdreg $0xFFFFFFFF  }
0xb3: {  	[dreg:$0x0] =	wrdreg $0x60  }
0xb4: {  	[dreg:$0x2] =	wrdreg s24  }
0xb5: {  	[dreg:$0x3] =	wrdreg s16  }
0xb6: {  	[dreg:$0x4] =	wrdreg $0xA8000  }
0xb7: {  	[dreg:$0x5] =	wrdreg $0x9  }
0xb8: {  	_ =	task.clear_ibuf [dreg:s7], $0x6FFFF;
	_ =	strace $0x90000049  }
0xb9: {  	s29 =	simm.s32 $0x9;
	_ =	strace $0x8000004B  }
0xba: {  	_ =	swait.ge [sflag:s29], $0x1  }
0xbb: {  	[sflag:s29] =	ssyncadd.s32 $0xFFFFFFFF  }
0xbc: {  	_ =	strace $0x9000004B  }
0xbd: {  	_ =	sfence  }
0xbe: {  	s30 =	sld [smem:$0x0];
	_ =	sdelay $0x2  }
0xbf: {  	s31 =	sshll.u32 s1, $0xD;
	s1 =	sshrl.u32 s1, $0x2  }
0xc0: {  	s3 =	sand.u32 $0x4000, s31;
	s1 =	sadd.s32 s1, s30  }
0xc1: {  	s0 =	sor.u32 s3, s0;
	s1 =	sshll.u32 s1, $0x11  }
0xc2: {  	s0 =	sor.u32 s1, s0  }
0xc3: {  	s0 =	sadd.s32 $0x8F2B, s0  }
0xc4: {  	[sflag:s0] =	ssyncadd.remote.s32 $0x1  }
0xc5: {  	_ =	sfence.sel $0xFFFF  }
0xc6: {  	[dreg:$0x0] =	wrdreg $0xFFFFFFFF;
	(pc) =	sbr.abs _section_cstart, $3  }
0xc7: {  	[dreg:$0x1] =	wrdreg $0xFFFFFFFF  }
0xc8: {  	_ =	task.clear_ibuf [dreg:s7], $0x2FFFF;
	_ =	strace $0x9FFFFFFF  }
0xc9: {  	(tm) =	ssettm $0x7FFFFFFF  }
tec
execute0_lowered:
.L_overlay_start_1:
0x0: {  	(tag) =	ssettag $0x1  }
0x1: {  	s0 =	rddreg [dreg:$0x0]  }
0x2: {  	s1 =	rddreg [dreg:$0x1]  }
0x3: {  	s2 =	rddreg [dreg:$0x2];
	s3 =	simm.s32 $0x0;
	s4 =	srdreg.scid  }
0x4: {  	s12 =	stileid.u32;
	s14 =	simm.s32 $0x80;
	s15 =	simm.s32 $0x2800  }
0x5: {  	s16 =	simm.s32 $0x4800;
	s18 =	simm.s32 $0x6800;
	s20 =	simm.s32 $0x8800  }
0x6: {  	s21 =	simm.s32 $0x1;
	s28 =	simm.s32 $0x7;
	s29 =	simm.s32 $0x8  }
0x7: {  	s31 =	simm.s32 $0x2680;
	[smem:$0x7FF] =	sst s3;
	s5 =	sand.u32 $0x1, s4  }
0x8: {  	s22 =	sshll.u32 s12, $0x1;
	s7 =	smul.u32 $0xA000, s12;
	s4 =	sadd.s32 $0x81800, s0  }
0x9: {  	s30 =	sshll.u32 s12, $0x6;
	_ =	strace $0x8000004A;
	s6 =	sor.u32 s5, s22  }
0xa: {  	s8 =	ssub.s32 $0x2, s5;
	s11 =	smul.u32 $0xA0000, s5;
	s12 =	sor.u32 $0x1C09, s30  }
0xb: {  	s22 =	simm.s32 $0x2;
	s6 =	smul.u32 $0x280, s6;
	s10 =	sshrl.u32 s8, $0x1  }
0xc: {  	s9 =	sshrl.u32 s7, $0x3;
	s25 =	sadd.s32 s7, s2;
	s23 =	ssub.s32 s8, s10  }
0xd: {  	s24 =	sadd.s32 s7, s11;
	s10 =	simm.s32 $0x9;
	s13 =	sshrl.u32 s25, $0x3  }
0xe: {  	s25 =	simm.s32 $0x5;
	s11 =	simm.s32 $0x0;
	s6 =	sadd.s32 s6, s0  }
0xf: {  	s0 =	sadd.s32 s9, s0;
	s26 =	sshrl.u32 s24, $0x3;
	s9 =	smax.u32 s23, $0x1  }
0x10: {  	s23 =	simm.s32 $0x3;
	s24 =	simm.s32 $0x4;
	s5 =	sadd.s32 $0x7200, s6  }
0x11: {  	s6 =	sadd.s32 $0x2200, s6;
	s7 =	sadd.s32 $0x95200, s0;
	s8 =	sadd.s32 s1, s26  }
0x12: {  	s26 =	simm.s32 $0x6;
	s0 =	simm.s32 $0x2700;
	s1 =	simm.s32 $0x2780  }
.LBB2_1:
0x13: {  	[tilespmem:s3], [sflag:$0x9] =	stream.linear.gather [hbm4b:s5+s3], $0x1400, $0x38;
	[tilespmem:$0x14800] =	vst v63  }
0x14: {  	_ =	swait.ge [sflag:s10], $0x1400  }
0x15: {  	[sflag:s10] =	ssyncset.done $0x0  }
0x16: {  	s17 =	simm.s32 $0x1400;
	[sflag:s10] =	ssyncadd.s32 $0xFFFFEC00  }
0x17: {  	[tilespmem:s17], [sflag:$0x9] =	stream.linear.gather [hbm4b:s6+s3], $0x1400, $0x38;
	[tilespmem:$0x14800] =	vst v63  }
0x18: {  	_ =	swait.ge [sflag:s10], $0x1400  }
0x19: {  	[sflag:s10] =	ssyncset.done $0x0  }
0x1a: {  	[sflag:s10] =	ssyncadd.s32 $0xFFFFEC00  }
0x1b: {  	[spmem:s13], [sflag:s12] =	dma.local [hbm:s7], $0x1400  }
0x1c: {  	_ =	swait.ge [sflag:s10], $0x1400  }
0x1d: {  	[sflag:s10] =	ssyncset.done $0x0  }
0x1e: {  	[sflag:s10] =	ssyncadd.s32 $0xFFFFEC00  }
0x1f: {  	[bflag:$0x0] =	sbarrier.arrive $0xFFFF  }
0x20: {  	[tilespmem:s15], [sflag:$0x1] =	stream.indirect.gather [hbm4b:s4+s14], $0x40, s3, s14, $0xb8;
	[tilespmem:$0x14800] =	vst v63  }
0x21: {  	_ = 	snop  }
0x22: {  	[tilespmem:s16], [sflag:$0x2] =	stream.indirect.gather [hbm4b:s4+s14], $0x40, s14, s14, $0xb8;
	[tilespmem:$0x14800] =	vst v63  }
0x23: {  	s30 =	simm.s32 $0x100  }
0x24: {  	[tilespmem:s18], [sflag:$0x3] =	stream.indirect.gather [hbm4b:s4+s14], $0x40, s30, s14, $0xb8;
	[tilespmem:$0x14800] =	vst v63  }
0x25: {  	s19 =	simm.s32 $0x180  }
0x26: {  	[tilespmem:s20], [sflag:$0x4] =	stream.indirect.gather [hbm4b:s4+s14], $0x40, s19, s14, $0xb8;
	[tilespmem:$0x14800] =	vst v63  }
0x27: {  	_ =	swait.ge [sflag:s21], $0x2000  }
0x28: {  	[sflag:s21] =	ssyncset.done $0x0  }
0x29: {  	s30 =	simm.s32 $0x1400;
	[sflag:s21] =	ssyncadd.s32 $0xFFFFE000  }
0x2a: {  	[spmem:s2] =	stream.indirect.scatter.add.f32 [tilespmem:s15], [sflag:$0x5], $0x40, s30, s14, $0xb8;
	[tilespmem:$0x14800] =	vst v63  }
0x2b: {  	_ =	swait.ge [sflag:s22], $0x2000  }
0x2c: {  	[sflag:s22] =	ssyncset.done $0x0  }
0x2d: {  	s19 =	simm.s32 $0x1480;
	[sflag:s22] =	ssyncadd.s32 $0xFFFFE000  }
0x2e: {  	[spmem:s2] =	stream.indirect.scatter.add.f32 [tilespmem:s16], [sflag:$0x6], $0x40, s19, s14, $0xb8;
	[tilespmem:$0x14800] =	vst v63  }
0x2f: {  	_ =	swait.ge [sflag:s23], $0x2000  }
0x30: {  	[sflag:s23] =	ssyncset.done $0x0  }
0x31: {  	s30 =	simm.s32 $0x1500;
	[sflag:s23] =	ssyncadd.s32 $0xFFFFE000  }
0x32: {  	[spmem:s2] =	stream.indirect.scatter.add.f32 [tilespmem:s18], [sflag:$0x7], $0x40, s30, s14, $0xb8;
	[tilespmem:$0x14800] =	vst v63  }
0x33: {  	_ =	swait.ge [sflag:s24], $0x2000  }
0x34: {  	[sflag:s24] =	ssyncset.done $0x0  }
0x35: {  	s19 =	simm.s32 $0x1580;
	[sflag:s24] =	ssyncadd.s32 $0xFFFFE000  }
0x36: {  	[spmem:s2] =	stream.indirect.scatter.add.f32 [tilespmem:s20], [sflag:$0x8], $0x40, s19, s14, $0xb8;
	[tilespmem:$0x14800] =	vst v63  }
0x37: {  	_ =	swait.ge [sflag:s25], $0x2000  }
0x38: {  	[sflag:s25] =	ssyncset.done $0x0  }
0x39: {  	s30 =	simm.s32 $0x200;
	[sflag:s25] =	ssyncadd.s32 $0xFFFFE000  }
0x3a: {  	[tilespmem:s15], [sflag:$0x1] =	stream.indirect.gather [hbm4b:s4+s14], $0x40, s30, s14, $0xb8;
	[tilespmem:$0x14800] =	vst v63  }
0x3b: {  	_ =	swait.ge [sflag:s26], $0x2000  }
0x3c: {  	[sflag:s26] =	ssyncset.done $0x0  }
0x3d: {  	s19 =	simm.s32 $0x280;
	[sflag:s26] =	ssyncadd.s32 $0xFFFFE000  }
0x3e: {  	[tilespmem:s16], [sflag:$0x2] =	stream.indirect.gather [hbm4b:s4+s14], $0x40, s19, s14, $0xb8;
	[tilespmem:$0x14800] =	vst v63  }
0x3f: {  	_ =	swait.ge [sflag:s28], $0x2000  }
0x40: {  	[sflag:s28] =	ssyncset.done $0x0  }
0x41: {  	s30 =	simm.s32 $0x300;
	[sflag:s28] =	ssyncadd.s32 $0xFFFFE000  }
0x42: {  	[tilespmem:s18], [sflag:$0x3] =	stream.indirect.gather [hbm4b:s4+s14], $0x40, s30, s14, $0xb8;
	[tilespmem:$0x14800] =	vst v63  }
0x43: {  	_ =	swait.ge [sflag:s29], $0x2000  }
0x44: {  	[sflag:s29] =	ssyncset.done $0x0  }
0x45: {  	s17 =	simm.s32 $0x800;
	s19 =	simm.s32 $0x380;
	[sflag:s29] =	ssyncadd.s32 $0xFFFFE000  }
.LBB2_2:
0x46: {  	[tilespmem:s20], [sflag:$0x4] =	stream.indirect.gather [hbm4b:s4+s14], $0x40, s19, s14, $0xb8;
	[tilespmem:$0x14800] =	vst v63  }
0x47: {  	s19 =	smov.u32 s17  }
0x48: {  	p0 =	sne.s32 s17, $0x4000;
	s17 =	sadd.s32 $0x800, s17;
	_ =	swait.ge [sflag:s21], $0x2000  }
0x49: {  	s19 =	sshra.s32 s19, $0x2;
	[sflag:s21] =	ssyncset.done $0x0  }
0x4a: {  	s30 =	sadd.s32 $0x1400, s19;
	[sflag:s21] =	ssyncadd.s32 $0xFFFFE000  }
0x4b: {  	[spmem:s2] =	stream.indirect.scatter.add.f32 [tilespmem:s15], [sflag:$0x5], $0x40, s30, s14, $0xb8;
	[tilespmem:$0x14800] =	vst v63  }
0x4c: {  	_ =	swait.ge [sflag:s22], $0x2000  }
0x4d: {  	[sflag:s22] =	ssyncset.done $0x0  }
0x4e: {  	s30 =	sadd.s32 $0x1480, s19;
	[sflag:s22] =	ssyncadd.s32 $0xFFFFE000  }
0x4f: {  	[spmem:s2] =	stream.indirect.scatter.add.f32 [tilespmem:s16], [sflag:$0x6], $0x40, s30, s14, $0xb8;
	[tilespmem:$0x14800] =	vst v63  }
0x50: {  	_ =	swait.ge [sflag:s23], $0x2000  }
0x51: {  	[sflag:s23] =	ssyncset.done $0x0  }
0x52: {  	s30 =	sadd.s32 $0x1500, s19;
	[sflag:s23] =	ssyncadd.s32 $0xFFFFE000  }
0x53: {  	[spmem:s2] =	stream.indirect.scatter.add.f32 [tilespmem:s18], [sflag:$0x7], $0x40, s30, s14, $0xb8;
	[tilespmem:$0x14800] =	vst v63  }
0x54: {  	_ =	swait.ge [sflag:s24], $0x2000  }
0x55: {  	[sflag:s24] =	ssyncset.done $0x0  }
0x56: {  	s30 =	sadd.s32 $0x1580, s19;
	[sflag:s24] =	ssyncadd.s32 $0xFFFFE000  }
0x57: {  	[spmem:s2] =	stream.indirect.scatter.add.f32 [tilespmem:s20], [sflag:$0x8], $0x40, s30, s14, $0xb8;
	[tilespmem:$0x14800] =	vst v63  }
0x58: {  	_ =	swait.ge [sflag:s25], $0x2000  }
0x59: {  	[sflag:s25] =	ssyncset.done $0x0  }
0x5a: {  	s30 =	sadd.s32 $0x200, s19;
	[sflag:s25] =	ssyncadd.s32 $0xFFFFE000  }
0x5b: {  	[tilespmem:s15], [sflag:$0x1] =	stream.indirect.gather [hbm4b:s4+s14], $0x40, s30, s14, $0xb8;
	[tilespmem:$0x14800] =	vst v63  }
0x5c: {  	_ =	swait.ge [sflag:s26], $0x2000  }
0x5d: {  	[sflag:s26] =	ssyncset.done $0x0  }
0x5e: {  	s30 =	sadd.s32 $0x280, s19;
	[sflag:s26] =	ssyncadd.s32 $0xFFFFE000  }
0x5f: {  	[tilespmem:s16], [sflag:$0x2] =	stream.indirect.gather [hbm4b:s4+s14], $0x40, s30, s14, $0xb8;
	[tilespmem:$0x14800] =	vst v63  }
0x60: {  	_ =	swait.ge [sflag:s28], $0x2000  }
0x61: {  	[sflag:s28] =	ssyncset.done $0x0  }
.Ltmp0:
0x62: {  	s30 =	sadd.s32 $0x300, s19;
	[sflag:s28] =	ssyncadd.s32 $0xFFFFE000;
	(pc) =	sbr.rel @p0 .LBB2_2-.Ltmp0, $4  }
0x63: {  	[tilespmem:s18], [sflag:$0x3] =	stream.indirect.gather [hbm4b:s4+s14], $0x40, s30, s14, $0xb8;
	[tilespmem:$0x14800] =	vst v63  }
0x64: {  	_ =	swait.ge [sflag:s29], $0x2000  }
0x65: {  	[sflag:s29] =	ssyncset.done $0x0  }
0x66: {  	s19 =	sadd.s32 $0x380, s19;
	[sflag:s29] =	ssyncadd.s32 $0xFFFFE000  }
0x67: {  	[tilespmem:s20], [sflag:$0x4] =	stream.indirect.gather [hbm4b:s4+s14], $0x40, s19, s14, $0xb8;
	[tilespmem:$0x14800] =	vst v63  }
0x68: {  	_ =	swait.ge [sflag:s21], $0x2000  }
0x69: {  	[sflag:s21] =	ssyncset.done $0x0  }
0x6a: {  	s17 =	simm.s32 $0x2600;
	[sflag:s21] =	ssyncadd.s32 $0xFFFFE000  }
0x6b: {  	[spmem:s2] =	stream.indirect.scatter.add.f32 [tilespmem:s15], [sflag:$0x5], $0x40, s17, s14, $0xb8;
	[tilespmem:$0x14800] =	vst v63  }
0x6c: {  	_ =	swait.ge [sflag:s22], $0x2000  }
0x6d: {  	[sflag:s22] =	ssyncset.done $0x0  }
0x6e: {  	[sflag:s22] =	ssyncadd.s32 $0xFFFFE000  }
0x6f: {  	[spmem:s2] =	stream.indirect.scatter.add.f32 [tilespmem:s16], [sflag:$0x6], $0x40, s31, s14, $0xb8;
	[tilespmem:$0x14800] =	vst v63  }
0x70: {  	_ =	swait.ge [sflag:s23], $0x2000  }
0x71: {  	[sflag:s23] =	ssyncset.done $0x0  }
0x72: {  	[sflag:s23] =	ssyncadd.s32 $0xFFFFE000  }
0x73: {  	[spmem:s2] =	stream.indirect.scatter.add.f32 [tilespmem:s18], [sflag:$0x7], $0x40, s0, s14, $0xb8;
	[tilespmem:$0x14800] =	vst v63  }
0x74: {  	_ =	swait.ge [sflag:s24], $0x2000  }
0x75: {  	[sflag:s24] =	ssyncset.done $0x0  }
0x76: {  	[sflag:s24] =	ssyncadd.s32 $0xFFFFE000  }
0x77: {  	[spmem:s2] =	stream.indirect.scatter.add.f32 [tilespmem:s20], [sflag:$0x8], $0x40, s1, s14, $0xb8;
	[tilespmem:$0x14800] =	vst v63  }
0x78: {  	_ =	swait.ge [sflag:s25], $0x2000  }
0x79: {  	[sflag:s25] =	ssyncset.done $0x0  }
0x7a: {  	[sflag:s25] =	ssyncadd.s32 $0xFFFFE000  }
0x7b: {  	_ =	swait.ge [sflag:s26], $0x2000  }
0x7c: {  	[sflag:s26] =	ssyncset.done $0x0  }
0x7d: {  	[sflag:s26] =	ssyncadd.s32 $0xFFFFE000  }
0x7e: {  	_ =	swait.ge [sflag:s28], $0x2000  }
0x7f: {  	[sflag:s28] =	ssyncset.done $0x0  }
0x80: {  	[sflag:s28] =	ssyncadd.s32 $0xFFFFE000  }
0x81: {  	_ =	swait.ge [sflag:s29], $0x2000  }
0x82: {  	s11 =	sadd.s32 $0x1, s11;
	[sflag:s29] =	ssyncset.done $0x0  }
0x83: {  	p0 =	sne.s32 s11, s9;
	[sflag:s29] =	ssyncadd.s32 $0xFFFFE000  }
.Ltmp1:
0x84: {  	[bflag:$0x0] =	sbarrier.arrive $0xFFFF;
	(pc) =	sbr.rel @p0 .LBB2_1-.Ltmp1, $4  }
0x85: {  	[hbm:s8], [sflag:s12] =	dma.local [spmem:s13], $0x1400  }
0x86: {  	_ =	swait.ge [sflag:s10], $0x1400  }
0x87: {  	[sflag:s10] =	ssyncset.done $0x0  }
0x88: {  	[sflag:s10] =	ssyncadd.s32 $0xFFFFEC00  }
0x89: {  	_ =	sfence.sel $0x180000  }
0x8a: {  	[bflag:$0x0] =	sbarrier.arrive $0xFFFF  }
0x8b: {  	_ =	strace $0x9000004A  }
0x8c: {  	s0 =	stileid.u32;
	[bflag:$0x2] =	sbarrier.arrive $0xFFFF  }
0x8d: {  	p0 =	sne.s32 s0, $0x0;
	s0 =	rddreg [dreg:$0x3]  }
0x8e: {  	s0 =	sadd.s32 @!p0 $0x100000, s0  }
0x8f: {  	[sflag:s0] =	ssyncadd.tile.s32 @!p0 $0x1;
	_ =	shalt  }
.Lfunc_end2:
_tile_overlayer_lowered:
.L_overlay_start_2:
0x90: {  	(tag) =	ssettag $0x2  }
0x91: {  	s0 =	rddreg [dreg:$0x0];
	s2 =	stileid.u32  }
0x92: {  	s1 =	rddreg [dreg:$0x1];
	p0 =	sne.s32 s2, $0x0  }
0x93: {  	s3 =	rddreg [dreg:$0x2];
	[bflag:$0x3] =	sbarrier.arrive $0xFFFF;
	s2 =	simm.s32 @!p0 $0x1C09  }
0x94: {  	[timem:s3], [sflag:s2] =	dma.local @!p0 [hbm:s0], s1  }
0x95: {  	s0 =	simm.s32 @!p0 $0x9  }
0x96: {  	_ =	swait.ge @!p0 [sflag:s0], s1  }
0x97: {  	s1 =	ssub.s32 @!p0 $0x0, s1;
	[sflag:s0] =	ssyncset.done @!p0 $0x0  }
0x98: {  	[sflag:s0] =	ssyncadd.s32 @!p0 s1  }
0x99: {  	[bflag:$0x3] =	sbarrier.arrive $0xFFFF  }
0x9a: {  	_ =	shalt  }

// kernel: kernel.16.cloned.1.call-start
scs
__scs_entry_jumppad:
0x0: {  	(pc) =	sbr.rel $0x88, $3  }
0x1: {  	(tag) =	ssettag $0x0;
	lr =	simm.s32 $0x1  }
0x2: {  	[smem:$0x3F9B] =	sst lr;
	_ =	strace $0xD0000000  }
0x3: {  	_ = 	snop  }
0x4: {  	_ = 	snop  }
0x5: {  	_ = 	snop  }
0x6: {  	_ = 	snop  }
0x7: {  	_ = 	snop  }
__scs_overlays_trampoline_lowered:
0x8: {  	[smem:$0x3FAA] =	sst s0  }
0x9: {  	[smem:$0x3FAB] =	sst s1  }
0xa: {  	[smem:$0x3FAC] =	sst s2  }
0xb: {  	[smem:$0x3FAD] =	sst s3  }
0xc: {  	[smem:$0x3FAE] =	sst s4  }
0xd: {  	[smem:$0x3FAF] =	sst s5  }
0xe: {  	[smem:$0x3FB0] =	sst s6  }
0xf: {  	[smem:$0x3FB1] =	sst s7  }
0x10: {  	[smem:$0x3FB2] =	sst s8  }
0x11: {  	[smem:$0x3FB3] =	sst s9;
	s0 =	simm.s32 @!p0 $0x0  }
0x12: {  	s1 =	sld [smem:$0x3F99];
	s0 =	simm.s32 @p0 $0x1  }
0x13: {  	[smem:$0x3FB4] =	sst s0;
	s0 =	simm.s32 @!p1 $0x0  }
0x14: {  	s2 =	sld [smem:$0x3F98];
	s0 =	simm.s32 @p1 $0x1  }
0x15: {  	[smem:$0x3FB5] =	sst s0;
	s0 =	simm.s32 @!p2 $0x0  }
0x16: {  	s3 =	sld [smem:$0x3FDB];
	s0 =	simm.s32 @p2 $0x1  }
0x17: {  	s4 =	simm.s32 $0x1BF5;
	[smem:$0x3FB7] =	sst s0  }
0x18: {  	s0 =	sld [smem:$0x3F9A];
	_ =	swait.ge [sflag:s4], $0x0  }
0x19: {  	s7 =	sld [smem:$0x3F9B]  }
0x1a: {  	s8 =	sadd.s32 $0xFFFFE003, lr  }
0x1b: {  	s9 =	sadd.s32 $0xFFFFFEF7, lr;
	s5 =	simm.s32 $0xFFFFFFFF;
	p2 =	slt.u32 s8, $0xFFFFF086  }
0x1c: {  	p1 =	slt.u32 s9, $0xF7A;
	s5 =	simm.s32 @!p2 $0x0  }
0x1d: {  	s5 =	simm.s32 @p1 $0x1;
	p0 =	seq.s32 s7, s2  }
0x1e: {  	s7 =	smul.u32 @!p0 $0xF7A, s2;
	p2 =	seq.s32 @!p0 s5, $0x0  }
0x1f: {  	s9 =	smul.u32 $0xF7A, s1;
	s8 =	simm.s32 @!p0 $0x1BF5;
	p2 =	por !p2, p0  }
0x20: {  	[sflag:s8] =	ssyncset.s32 @!p0 $0xFFFFF086;
	s6 =	sadd.s32 @!p0 s3, s7;
	s7 =	simm.s32 @!p0 $0x108  }
0x21: {  	s3 =	sadd.s32 s3, s9;
	s6 =	sadd.s32 @!p0 $0x88, s6;
	s7 =	simm.s32 @p2 $0x1082  }
0x22: {  	[simem:s7], [sflag:s8] =	dma.local @!p0 [hbm:s6], $0xF7A  }
0x23: {  	s9 =	sor.u32 $0xD0000000, s2;
	s6 =	simm.s32 $0x108;
	_ =	swait.ge @!p0 [sflag:s8], $0x0  }
0x24: {  	s3 =	sadd.s32 $0x88, s3;
	s6 =	simm.s32 @!p1 $0x1082;
	[sflag:s4] =	ssyncset.s32 $0xFFFFF086  }
0x25: {  	[simem:s6], [sflag:s4] =	dma.local [hbm:s3], $0xF7A  }
0x26: {  	[smem:$0x3F9B] =	sst s1;
	(tag) =	ssettag s2;
	_ =	strace s9  }
0x27: {  	s1 =	sld [smem:$0x3FAB]  }
0x28: {  	s2 =	sld [smem:$0x3FAC]  }
0x29: {  	s4 =	sld [smem:$0x3FAE]  }
0x2a: {  	p0 =	seq.s32 s5, $0x0;
	s5 =	sld [smem:$0x3FAF]  }
0x2b: {  	s6 =	sld [smem:$0x3FB0]  }
0x2c: {  	s7 =	sld [smem:$0x3FB1]  }
0x2d: {  	s3 =	simm.s32 $0x108;
	s8 =	sld [smem:$0x3FB2]  }
0x2e: {  	s3 =	simm.s32 @!p0 $0x1082;
	s9 =	sld [smem:$0x3FB3]  }
0x2f: {  	lr =	sadd.s32 s0, s3;
	s0 =	sld [smem:$0x3FAA]  }
0x30: {  	s3 =	sld [smem:$0x3FAD]  }
0x31: {  	[smem:$0x3FB6] =	sst s10  }
0x32: {  	s10 =	sld [smem:$0x3FB4];
	_ =	sdelay $0x3  }
0x33: {  	p0 =	seq.s32 s10, $0x1;
	s10 =	sld [smem:$0x3FB6];
	_ =	sdelay $0x3  }
0x34: {  	[smem:$0x3FB6] =	sst s10  }
0x35: {  	s10 =	sld [smem:$0x3FB5];
	_ =	sdelay $0x3  }
0x36: {  	p1 =	seq.s32 s10, $0x1;
	s10 =	sld [smem:$0x3FB6];
	_ =	sdelay $0x3  }
0x37: {  	[smem:$0x3FB6] =	sst s10  }
0x38: {  	s10 =	sld [smem:$0x3FB7]  }
0x39: {  	_ = 	snop;
	(pc) =	sbr.ind lr, $3  }
0x3a: {  	_ = 	snop  }
0x3b: {  	_ = 	snop  }
0x3c: {  	p2 =	seq.s32 s10, $0x1;
	s10 =	sld [smem:$0x3FB6]  }
0x3d: {  	_ =	shalt  }
0x3e: {  	_ =	shalt  }
0x3f: {  	_ =	shalt  }
0x40: {  	_ =	shalt  }
0x41: {  	_ =	shalt  }
0x42: {  	_ =	shalt  }
0x43: {  	_ =	shalt  }
0x44: {  	_ =	shalt  }
0x45: {  	_ =	shalt  }
0x46: {  	_ =	shalt  }
0x47: {  	_ =	shalt  }
0x48: {  	_ =	shalt  }
0x49: {  	_ =	shalt  }
0x4a: {  	_ =	shalt  }
0x4b: {  	_ =	shalt  }
0x4c: {  	_ =	shalt  }
0x4d: {  	_ =	shalt  }
0x4e: {  	_ =	shalt  }
0x4f: {  	_ =	shalt  }
0x50: {  	_ =	shalt  }
0x51: {  	_ =	shalt  }
0x52: {  	_ =	shalt  }
0x53: {  	_ =	shalt  }
0x54: {  	_ =	shalt  }
0x55: {  	_ =	shalt  }
0x56: {  	_ =	shalt  }
0x57: {  	_ =	shalt  }
0x58: {  	_ =	shalt  }
0x59: {  	_ =	shalt  }
0x5a: {  	_ =	shalt  }
0x5b: {  	_ =	shalt  }
0x5c: {  	_ =	shalt  }
0x5d: {  	_ =	shalt  }
0x5e: {  	_ =	shalt  }
0x5f: {  	_ =	shalt  }
0x60: {  	_ =	shalt  }
0x61: {  	_ =	shalt  }
0x62: {  	_ =	shalt  }
0x63: {  	_ =	shalt  }
0x64: {  	_ =	shalt  }
0x65: {  	_ =	shalt  }
0x66: {  	_ =	shalt  }
0x67: {  	_ =	shalt  }
0x68: {  	_ =	shalt  }
0x69: {  	_ =	shalt  }
0x6a: {  	_ =	shalt  }
0x6b: {  	_ =	shalt  }
0x6c: {  	_ =	shalt  }
0x6d: {  	_ =	shalt  }
0x6e: {  	_ =	shalt  }
0x6f: {  	_ =	shalt  }
0x70: {  	_ =	shalt  }
0x71: {  	_ =	shalt  }
0x72: {  	_ =	shalt  }
0x73: {  	_ =	shalt  }
0x74: {  	_ =	shalt  }
0x75: {  	_ =	shalt  }
0x76: {  	_ =	shalt  }
0x77: {  	_ =	shalt  }
0x78: {  	_ =	shalt  }
0x79: {  	_ =	shalt  }
0x7a: {  	_ =	shalt  }
0x7b: {  	_ =	shalt  }
0x7c: {  	_ =	shalt  }
0x7d: {  	_ =	shalt  }
0x7e: {  	_ =	shalt  }
0x7f: {  	_ =	shalt  }
0x80: {  	_ =	shalt  }
0x81: {  	_ =	shalt  }
0x82: {  	_ =	shalt  }
0x83: {  	_ =	shalt  }
0x84: {  	_ =	shalt  }
0x85: {  	_ =	shalt  }
0x86: {  	_ =	shalt  }
0x87: {  	_ =	shalt  }
.Lfunc_end0:
.L_simem_size_0:
called_computation.2_lowered:
.L_overlay_start_0:
0x88: {  	s2 =	sld [smem:$0x3FD9]  }
0x89: {  	s3 =	sld [smem:$0x3FFE];
	_ =	sdelay $0x1  }
0x8a: {  	s1 =	srdreg.scid  }
0x8b: {  	s0 =	sand.u32 $0x1, s1  }
0x8c: {  	s14 =	sshll.u32 s0, $0xA;
	s2 =	sadd.s32 s3, s2  }
0x8d: {  	s2 =	sadd.s32 s2, s14  }
0x8e: {  	[smem:$0x3FC2] =	sst s2  }
0x8f: {  	_ = 	snop  }
0x90: {  	s2 =	sld [smem:$0x3FD0];
	_ =	sdelay $0x2  }
0x91: {  	s15 =	simm.s32 $0xA;
	s4 =	simm.s32 $0x10  }
0x92: {  	[smem:s4], [sflag:s15] =	dma.local [hbm:s2], $0x1  }
0x93: {  	_ =	swait.eq [sflag:s15], $0x1  }
0x94: {  	[sflag:s15] =	ssyncset.done $0x0  }
0x95: {  	s16 =	sld [smem:$0x10];
	[sflag:s15] =	ssyncadd.s32 $0xFFFFFFFF  }
0x96: {  	s17 =	sld [smem:$0x11];
	(tm) =	ssettm $0x1  }
0x97: {  	s18 =	sld [smem:$0x3FFB];
	_ =	sdelay $0x3  }
0x98: {  	_ =	strace s18  }
0x99: {  	s4 =	sld [smem:$0x3FFC];
	_ =	sdelay $0x3  }
0x9a: {  	_ =	strace s4  }
0x9b: {  	s4 =	sld [smem:$0x3FFD];
	_ =	sdelay $0x3  }
0x9c: {  	_ =	strace s4  }
0x9d: {  	_ =	strace $0x8FFFFFFF  }
0x9e: {  	s19 =	sld [smem:$0x3FDB];
	_ =	sdelay $0x1  }
0x9f: {  	s5 =	simm.s32 $_scs_section_size  }
0xa0: {  	s6 =	simm.s32 $_size__tile_overlayer_lowered;
	s7 =	simm.s32 $_tile_overlayer_lowered  }
0xa1: {  	s22 =	simm.s32 $0x1BFF;
	s21 =	sshll.u32 s7, $0x1;
	s4 =	sadd.s32 s5, s19  }
0xa2: {  	s8 =	simm.s32 $0x0;
	s20 =	sshll.u32 s6, $0x1;
	s6 =	sadd.s32 s21, s4  }
0xa3: {  	[timem:s8], [sflag:s22] =	dma.local [hbm:s6], s20  }
0xa4: {  	_ =	swait.ge [sflag:s22], s20  }
0xa5: {  	s5 =	ssub.s32 $0x0, s20;
	[sflag:s22] =	ssyncset.done $0x0  }
0xa6: {  	[sflag:s22] =	ssyncadd.s32 s5;
	_ =	sdelay $0x1  }
0xa7: {  	s23 =	simm.s32 $0x1B8B  }
0xa8: {  	_ =	swait.ge [sflag:s23], $0x1  }
0xa9: {  	[sflag:s23] =	ssyncset.done $0x0  }
0xaa: {  	s25 =	simm.s32 $0x1B8E;
	s24 =	sld [smem:$0x3FFE];
	[sflag:s23] =	ssyncadd.s32 $0xFFFFFFFF  }
0xab: {  	s26 =	simm.s32 $execute0_lowered;
	[smem:$0x3FD2] =	sst s25  }
0xac: {  	s6 =	sshll.u32 s26, $0x1;
	_ =	strace $0x8000004C;
	[dreg:$0x1] =	wrdreg $0xFFFFFFFF  }
0xad: {  	s28 =	simm.s32 $_size_execute0_lowered;
	s4 =	sadd.s32 s4, s6;
	[dreg:$0x0] =	wrdreg $0x0  }
0xae: {  	s6 =	sshll.u32 s28, $0x1;
	[dreg:$0x2] =	wrdreg s4  }
0xaf: {  	[dreg:$0x3] =	wrdreg s6  }
0xb0: {  	[dreg:$0x4] =	wrdreg $0xC0  }
0xb1: {  	_ =	task [dreg:s8], $0x5FFFF  }
0xb2: {  	[dreg:$0x1] =	wrdreg $0xFFFFFFFF  }
0xb3: {  	[dreg:$0x0] =	wrdreg $0x60  }
0xb4: {  	[dreg:$0x2] =	wrdreg s17  }
0xb5: {  	[dreg:$0x3] =	wrdreg s24  }
0xb6: {  	[dreg:$0x4] =	wrdreg s16  }
0xb7: {  	[dreg:$0x5] =	wrdreg $0x68000  }
0xb8: {  	[dreg:$0x6] =	wrdreg $0x9  }
0xb9: {  	_ =	task.clear_ibuf [dreg:s8], $0x7FFFF;
	_ =	strace $0x9000004C  }
0xba: {  	s29 =	simm.s32 $0x9;
	_ =	strace $0x8000004E  }
0xbb: {  	_ =	swait.ge [sflag:s29], $0x1  }
0xbc: {  	[sflag:s29] =	ssyncadd.s32 $0xFFFFFFFF  }
0xbd: {  	_ =	strace $0x9000004E  }
0xbe: {  	_ =	sfence  }
0xbf: {  	s30 =	sld [smem:$0x0];
	_ =	sdelay $0x2  }
0xc0: {  	s31 =	sshll.u32 s1, $0xD;
	s1 =	sshrl.u32 s1, $0x2  }
0xc1: {  	s3 =	sand.u32 $0x4000, s31;
	s1 =	sadd.s32 s1, s30  }
0xc2: {  	s0 =	sor.u32 s3, s0;
	s1 =	sshll.u32 s1, $0x11  }
0xc3: {  	s0 =	sor.u32 s1, s0  }
0xc4: {  	s0 =	sadd.s32 $0x8F2B, s0  }
0xc5: {  	[sflag:s0] =	ssyncadd.remote.s32 $0x1  }
0xc6: {  	_ =	sfence.sel $0xFFFF  }
0xc7: {  	[dreg:$0x0] =	wrdreg $0xFFFFFFFF;
	(pc) =	sbr.abs _section_cstart, $3  }
0xc8: {  	[dreg:$0x1] =	wrdreg $0xFFFFFFFF  }
0xc9: {  	_ =	task.clear_ibuf [dreg:s8], $0x2FFFF;
	_ =	strace $0x9FFFFFFF  }
0xca: {  	(tm) =	ssettm $0x7FFFFFFF  }
0xcb: {  	_ =	shalt  }
tec
execute0_lowered:
.L_overlay_start_1:
0x0: {  	(tag) =	ssettag $0x1  }
0x1: {  	s1 =	rddreg [dreg:$0x0]  }
0x2: {  	s0 =	rddreg [dreg:$0x1]  }
0x3: {  	s2 =	rddreg [dreg:$0x2]  }
0x4: {  	s3 =	rddreg [dreg:$0x3];
	s5 =	srdreg.scid  }
0x5: {  	s12 =	stileid.u32;
	s4 =	simm.s32 $0x0;
	s14 =	simm.s32 $0x80  }
0x6: {  	s15 =	simm.s32 $0x2800;
	s16 =	simm.s32 $0x3800;
	s18 =	simm.s32 $0x4800  }
0x7: {  	s20 =	simm.s32 $0x5800;
	s21 =	simm.s32 $0x1;
	s22 =	simm.s32 $0x2  }
0x8: {  	s28 =	simm.s32 $0x7;
	s29 =	simm.s32 $0x8;
	s31 =	simm.s32 $0x2680  }
0x9: {  	s5 =	sand.u32 $0x1, s5;
	s6 =	sshll.u32 s12, $0x1;
	[smem:$0x7FF] =	sst s4  }
0xa: {  	s7 =	smul.u32 $0x5000, s12;
	s30 =	sshll.u32 s12, $0x6;
	s6 =	sor.u32 s5, s6  }
0xb: {  	_ =	strace $0x8000004D;
	s8 =	ssub.s32 $0x2, s5;
	s11 =	smul.u32 $0x50000, s5  }
0xc: {  	s12 =	sor.u32 $0x1C09, s30;
	s6 =	smul.u32 $0x280, s6;
	s10 =	sshrl.u32 s8, $0x1  }
0xd: {  	s9 =	sshrl.u32 s7, $0x3;
	s25 =	sadd.s32 s7, s3;
	s23 =	ssub.s32 s8, s10  }
0xe: {  	s24 =	sadd.s32 s7, s11;
	s10 =	simm.s32 $0x9;
	s13 =	sshrl.u32 s25, $0x3  }
0xf: {  	s25 =	simm.s32 $0x5;
	s11 =	simm.s32 $0x0;
	s6 =	sadd.s32 s6, s0  }
0x10: {  	s0 =	sadd.s32 s9, s0;
	s26 =	sshrl.u32 s24, $0x3;
	s9 =	smax.u32 s23, $0x1  }
0x11: {  	s23 =	simm.s32 $0x3;
	s24 =	simm.s32 $0x4;
	s5 =	sadd.s32 $0x7200, s6  }
0x12: {  	s6 =	sadd.s32 $0x2200, s6;
	s7 =	sadd.s32 $0x5A600, s0;
	s8 =	sadd.s32 s2, s26  }
0x13: {  	s26 =	simm.s32 $0x6;
	s0 =	simm.s32 $0x2700;
	s2 =	simm.s32 $0x2780  }
.LBB2_1:
0x14: {  	[tilespmem:s4], [sflag:$0x9] =	stream.linear.gather [hbm4b:s5+s4], $0x1400, $0x38;
	[tilespmem:$0xB800] =	vst v63  }
0x15: {  	_ =	swait.ge [sflag:s10], $0x1400  }
0x16: {  	[sflag:s10] =	ssyncset.done $0x0  }
0x17: {  	s17 =	simm.s32 $0x1400;
	[sflag:s10] =	ssyncadd.s32 $0xFFFFEC00  }
0x18: {  	[tilespmem:s17], [sflag:$0x9] =	stream.linear.gather [hbm4b:s6+s4], $0x1400, $0x38;
	[tilespmem:$0xB800] =	vst v63  }
0x19: {  	_ =	swait.ge [sflag:s10], $0x1400  }
0x1a: {  	[sflag:s10] =	ssyncset.done $0x0  }
0x1b: {  	[sflag:s10] =	ssyncadd.s32 $0xFFFFEC00  }
0x1c: {  	[spmem:s13], [sflag:s12] =	dma.local [hbm:s7], $0xA00  }
0x1d: {  	_ =	swait.ge [sflag:s10], $0xA00  }
0x1e: {  	[sflag:s10] =	ssyncset.done $0x0  }
0x1f: {  	[sflag:s10] =	ssyncadd.s32 $0xFFFFF600  }
0x20: {  	[bflag:$0x0] =	sbarrier.arrive $0xFFFF  }
0x21: {  	[tilespmem:s15], [sflag:$0x1] =	stream.indirect.gather [hbm4b:s1+s14], $0x20, s4, s14, $0xb8;
	[tilespmem:$0xB800] =	vst v63  }
0x22: {  	_ = 	snop  }
0x23: {  	[tilespmem:s16], [sflag:$0x2] =	stream.indirect.gather [hbm4b:s1+s14], $0x20, s14, s14, $0xb8;
	[tilespmem:$0xB800] =	vst v63  }
0x24: {  	s30 =	simm.s32 $0x100  }
0x25: {  	[tilespmem:s18], [sflag:$0x3] =	stream.indirect.gather [hbm4b:s1+s14], $0x20, s30, s14, $0xb8;
	[tilespmem:$0xB800] =	vst v63  }
0x26: {  	s19 =	simm.s32 $0x180  }
0x27: {  	[tilespmem:s20], [sflag:$0x4] =	stream.indirect.gather [hbm4b:s1+s14], $0x20, s19, s14, $0xb8;
	[tilespmem:$0xB800] =	vst v63  }
0x28: {  	_ =	swait.ge [sflag:s21], $0x1000  }
0x29: {  	[sflag:s21] =	ssyncset.done $0x0  }
0x2a: {  	s30 =	simm.s32 $0x1400;
	[sflag:s21] =	ssyncadd.s32 $0xFFFFF000  }
0x2b: {  	[spmem:s3] =	stream.indirect.scatter.add.f32 [tilespmem:s15], [sflag:$0x5], $0x20, s30, s14, $0xb8;
	[tilespmem:$0xB800] =	vst v63  }
0x2c: {  	_ =	swait.ge [sflag:s22], $0x1000  }
0x2d: {  	[sflag:s22] =	ssyncset.done $0x0  }
0x2e: {  	s19 =	simm.s32 $0x1480;
	[sflag:s22] =	ssyncadd.s32 $0xFFFFF000  }
0x2f: {  	[spmem:s3] =	stream.indirect.scatter.add.f32 [tilespmem:s16], [sflag:$0x6], $0x20, s19, s14, $0xb8;
	[tilespmem:$0xB800] =	vst v63  }
0x30: {  	_ =	swait.ge [sflag:s23], $0x1000  }
0x31: {  	[sflag:s23] =	ssyncset.done $0x0  }
0x32: {  	s30 =	simm.s32 $0x1500;
	[sflag:s23] =	ssyncadd.s32 $0xFFFFF000  }
0x33: {  	[spmem:s3] =	stream.indirect.scatter.add.f32 [tilespmem:s18], [sflag:$0x7], $0x20, s30, s14, $0xb8;
	[tilespmem:$0xB800] =	vst v63  }
0x34: {  	_ =	swait.ge [sflag:s24], $0x1000  }
0x35: {  	[sflag:s24] =	ssyncset.done $0x0  }
0x36: {  	s19 =	simm.s32 $0x1580;
	[sflag:s24] =	ssyncadd.s32 $0xFFFFF000  }
0x37: {  	[spmem:s3] =	stream.indirect.scatter.add.f32 [tilespmem:s20], [sflag:$0x8], $0x20, s19, s14, $0xb8;
	[tilespmem:$0xB800] =	vst v63  }
0x38: {  	_ =	swait.ge [sflag:s25], $0x1000  }
0x39: {  	[sflag:s25] =	ssyncset.done $0x0  }
0x3a: {  	s30 =	simm.s32 $0x200;
	[sflag:s25] =	ssyncadd.s32 $0xFFFFF000  }
0x3b: {  	[tilespmem:s15], [sflag:$0x1] =	stream.indirect.gather [hbm4b:s1+s14], $0x20, s30, s14, $0xb8;
	[tilespmem:$0xB800] =	vst v63  }
0x3c: {  	_ =	swait.ge [sflag:s26], $0x1000  }
0x3d: {  	[sflag:s26] =	ssyncset.done $0x0  }
0x3e: {  	s19 =	simm.s32 $0x280;
	[sflag:s26] =	ssyncadd.s32 $0xFFFFF000  }
0x3f: {  	[tilespmem:s16], [sflag:$0x2] =	stream.indirect.gather [hbm4b:s1+s14], $0x20, s19, s14, $0xb8;
	[tilespmem:$0xB800] =	vst v63  }
0x40: {  	_ =	swait.ge [sflag:s28], $0x1000  }
0x41: {  	[sflag:s28] =	ssyncset.done $0x0  }
0x42: {  	s30 =	simm.s32 $0x300;
	[sflag:s28] =	ssyncadd.s32 $0xFFFFF000  }
0x43: {  	[tilespmem:s18], [sflag:$0x3] =	stream.indirect.gather [hbm4b:s1+s14], $0x20, s30, s14, $0xb8;
	[tilespmem:$0xB800] =	vst v63  }
0x44: {  	_ =	swait.ge [sflag:s29], $0x1000  }
0x45: {  	[sflag:s29] =	ssyncset.done $0x0  }
0x46: {  	s17 =	simm.s32 $0x800;
	s19 =	simm.s32 $0x380;
	[sflag:s29] =	ssyncadd.s32 $0xFFFFF000  }
.LBB2_2:
0x47: {  	[tilespmem:s20], [sflag:$0x4] =	stream.indirect.gather [hbm4b:s1+s14], $0x20, s19, s14, $0xb8;
	[tilespmem:$0xB800] =	vst v63  }
0x48: {  	s19 =	smov.u32 s17  }
0x49: {  	p0 =	sne.s32 s17, $0x4000;
	s17 =	sadd.s32 $0x800, s17;
	_ =	swait.ge [sflag:s21], $0x1000  }
0x4a: {  	s19 =	sshra.s32 s19, $0x2;
	[sflag:s21] =	ssyncset.done $0x0  }
0x4b: {  	s30 =	sadd.s32 $0x1400, s19;
	[sflag:s21] =	ssyncadd.s32 $0xFFFFF000  }
0x4c: {  	[spmem:s3] =	stream.indirect.scatter.add.f32 [tilespmem:s15], [sflag:$0x5], $0x20, s30, s14, $0xb8;
	[tilespmem:$0xB800] =	vst v63  }
0x4d: {  	_ =	swait.ge [sflag:s22], $0x1000  }
0x4e: {  	[sflag:s22] =	ssyncset.done $0x0  }
0x4f: {  	s30 =	sadd.s32 $0x1480, s19;
	[sflag:s22] =	ssyncadd.s32 $0xFFFFF000  }
0x50: {  	[spmem:s3] =	stream.indirect.scatter.add.f32 [tilespmem:s16], [sflag:$0x6], $0x20, s30, s14, $0xb8;
	[tilespmem:$0xB800] =	vst v63  }
0x51: {  	_ =	swait.ge [sflag:s23], $0x1000  }
0x52: {  	[sflag:s23] =	ssyncset.done $0x0  }
0x53: {  	s30 =	sadd.s32 $0x1500, s19;
	[sflag:s23] =	ssyncadd.s32 $0xFFFFF000  }
0x54: {  	[spmem:s3] =	stream.indirect.scatter.add.f32 [tilespmem:s18], [sflag:$0x7], $0x20, s30, s14, $0xb8;
	[tilespmem:$0xB800] =	vst v63  }
0x55: {  	_ =	swait.ge [sflag:s24], $0x1000  }
0x56: {  	[sflag:s24] =	ssyncset.done $0x0  }
0x57: {  	s30 =	sadd.s32 $0x1580, s19;
	[sflag:s24] =	ssyncadd.s32 $0xFFFFF000  }
0x58: {  	[spmem:s3] =	stream.indirect.scatter.add.f32 [tilespmem:s20], [sflag:$0x8], $0x20, s30, s14, $0xb8;
	[tilespmem:$0xB800] =	vst v63  }
0x59: {  	_ =	swait.ge [sflag:s25], $0x1000  }
0x5a: {  	[sflag:s25] =	ssyncset.done $0x0  }
0x5b: {  	s30 =	sadd.s32 $0x200, s19;
	[sflag:s25] =	ssyncadd.s32 $0xFFFFF000  }
0x5c: {  	[tilespmem:s15], [sflag:$0x1] =	stream.indirect.gather [hbm4b:s1+s14], $0x20, s30, s14, $0xb8;
	[tilespmem:$0xB800] =	vst v63  }
0x5d: {  	_ =	swait.ge [sflag:s26], $0x1000  }
0x5e: {  	[sflag:s26] =	ssyncset.done $0x0  }
0x5f: {  	s30 =	sadd.s32 $0x280, s19;
	[sflag:s26] =	ssyncadd.s32 $0xFFFFF000  }
0x60: {  	[tilespmem:s16], [sflag:$0x2] =	stream.indirect.gather [hbm4b:s1+s14], $0x20, s30, s14, $0xb8;
	[tilespmem:$0xB800] =	vst v63  }
0x61: {  	_ =	swait.ge [sflag:s28], $0x1000  }
0x62: {  	[sflag:s28] =	ssyncset.done $0x0  }
.Ltmp0:
0x63: {  	s30 =	sadd.s32 $0x300, s19;
	[sflag:s28] =	ssyncadd.s32 $0xFFFFF000;
	(pc) =	sbr.rel @p0 .LBB2_2-.Ltmp0, $4  }
0x64: {  	[tilespmem:s18], [sflag:$0x3] =	stream.indirect.gather [hbm4b:s1+s14], $0x20, s30, s14, $0xb8;
	[tilespmem:$0xB800] =	vst v63  }
0x65: {  	_ =	swait.ge [sflag:s29], $0x1000  }
0x66: {  	[sflag:s29] =	ssyncset.done $0x0  }
0x67: {  	s19 =	sadd.s32 $0x380, s19;
	[sflag:s29] =	ssyncadd.s32 $0xFFFFF000  }
0x68: {  	[tilespmem:s20], [sflag:$0x4] =	stream.indirect.gather [hbm4b:s1+s14], $0x20, s19, s14, $0xb8;
	[tilespmem:$0xB800] =	vst v63  }
0x69: {  	_ =	swait.ge [sflag:s21], $0x1000  }
0x6a: {  	[sflag:s21] =	ssyncset.done $0x0  }
0x6b: {  	s17 =	simm.s32 $0x2600;
	[sflag:s21] =	ssyncadd.s32 $0xFFFFF000  }
0x6c: {  	[spmem:s3] =	stream.indirect.scatter.add.f32 [tilespmem:s15], [sflag:$0x5], $0x20, s17, s14, $0xb8;
	[tilespmem:$0xB800] =	vst v63  }
0x6d: {  	_ =	swait.ge [sflag:s22], $0x1000  }
0x6e: {  	[sflag:s22] =	ssyncset.done $0x0  }
0x6f: {  	[sflag:s22] =	ssyncadd.s32 $0xFFFFF000  }
0x70: {  	[spmem:s3] =	stream.indirect.scatter.add.f32 [tilespmem:s16], [sflag:$0x6], $0x20, s31, s14, $0xb8;
	[tilespmem:$0xB800] =	vst v63  }
0x71: {  	_ =	swait.ge [sflag:s23], $0x1000  }
0x72: {  	[sflag:s23] =	ssyncset.done $0x0  }
0x73: {  	[sflag:s23] =	ssyncadd.s32 $0xFFFFF000  }
0x74: {  	[spmem:s3] =	stream.indirect.scatter.add.f32 [tilespmem:s18], [sflag:$0x7], $0x20, s0, s14, $0xb8;
	[tilespmem:$0xB800] =	vst v63  }
0x75: {  	_ =	swait.ge [sflag:s24], $0x1000  }
0x76: {  	[sflag:s24] =	ssyncset.done $0x0  }
0x77: {  	[sflag:s24] =	ssyncadd.s32 $0xFFFFF000  }
0x78: {  	[spmem:s3] =	stream.indirect.scatter.add.f32 [tilespmem:s20], [sflag:$0x8], $0x20, s2, s14, $0xb8;
	[tilespmem:$0xB800] =	vst v63  }
0x79: {  	_ =	swait.ge [sflag:s25], $0x1000  }
0x7a: {  	[sflag:s25] =	ssyncset.done $0x0  }
0x7b: {  	[sflag:s25] =	ssyncadd.s32 $0xFFFFF000  }
0x7c: {  	_ =	swait.ge [sflag:s26], $0x1000  }
0x7d: {  	[sflag:s26] =	ssyncset.done $0x0  }
0x7e: {  	[sflag:s26] =	ssyncadd.s32 $0xFFFFF000  }
0x7f: {  	_ =	swait.ge [sflag:s28], $0x1000  }
0x80: {  	[sflag:s28] =	ssyncset.done $0x0  }
0x81: {  	[sflag:s28] =	ssyncadd.s32 $0xFFFFF000  }
0x82: {  	_ =	swait.ge [sflag:s29], $0x1000  }
0x83: {  	s11 =	sadd.s32 $0x1, s11;
	[sflag:s29] =	ssyncset.done $0x0  }
0x84: {  	p0 =	sne.s32 s11, s9;
	[sflag:s29] =	ssyncadd.s32 $0xFFFFF000  }
.Ltmp1:
0x85: {  	[bflag:$0x0] =	sbarrier.arrive $0xFFFF;
	(pc) =	sbr.rel @p0 .LBB2_1-.Ltmp1, $4  }
0x86: {  	[hbm:s8], [sflag:s12] =	dma.local [spmem:s13], $0xA00  }
0x87: {  	_ =	swait.ge [sflag:s10], $0xA00  }
0x88: {  	[sflag:s10] =	ssyncset.done $0x0  }
0x89: {  	[sflag:s10] =	ssyncadd.s32 $0xFFFFF600  }
0x8a: {  	_ =	sfence.sel $0x180000  }
0x8b: {  	[bflag:$0x0] =	sbarrier.arrive $0xFFFF  }
0x8c: {  	_ =	strace $0x9000004D  }
0x8d: {  	s0 =	stileid.u32;
	[bflag:$0x2] =	sbarrier.arrive $0xFFFF  }
0x8e: {  	p0 =	sne.s32 s0, $0x0;
	s0 =	rddreg [dreg:$0x4]  }
0x8f: {  	s0 =	sadd.s32 @!p0 $0x100000, s0  }
0x90: {  	[sflag:s0] =	ssyncadd.tile.s32 @!p0 $0x1;
	_ =	shalt  }
.Lfunc_end2:
_tile_overlayer_lowered:
.L_overlay_start_2:
0x91: {  	(tag) =	ssettag $0x2  }
0x92: {  	s0 =	rddreg [dreg:$0x0];
	s2 =	stileid.u32  }
0x93: {  	s1 =	rddreg [dreg:$0x1];
	p0 =	sne.s32 s2, $0x0  }
0x94: {  	s3 =	rddreg [dreg:$0x2];
	[bflag:$0x3] =	sbarrier.arrive $0xFFFF;
	s2 =	simm.s32 @!p0 $0x1C09  }
0x95: {  	[timem:s3], [sflag:s2] =	dma.local @!p0 [hbm:s0], s1  }
0x96: {  	s0 =	simm.s32 @!p0 $0x9  }
0x97: {  	_ =	swait.ge @!p0 [sflag:s0], s1  }
0x98: {  	s1 =	ssub.s32 @!p0 $0x0, s1;
	[sflag:s0] =	ssyncset.done @!p0 $0x0  }
0x99: {  	[sflag:s0] =	ssyncadd.s32 @!p0 s1  }
0x9a: {  	[bflag:$0x3] =	sbarrier.arrive $0xFFFF  }
0x9b: {  	_ =	shalt  }

</sc_bundles>
